<compile_context>
chip_gen: v7x
topology: tpu7x:2x2x1
jax: 0.10.2.dev20260603
libtpu: 0.0.44.dev20260713+nightly
codegen_flags: <defaults>
</compile_context>

<pallas_src>
import functools

import jax
import jax.numpy as jnp
import numpy as np
from jax import lax
from jax.experimental import pallas as pl
from jax.experimental.pallas import tpu as pltpu
from jax.experimental.pallas import tpu_sc as plsc

B = 4096
F = 26
D = 64
V = 100000
TOTAL = F * V
BN_INV = float(1.0 / np.sqrt(1.0 + 1e-5))
_OFF = (np.arange(F, dtype=np.int64) * V).astype(np.int32)

NW = 32
ROWS_PW = B // NW
NGRP = ROWS_PW // 8
HALF = 13 * 8


def _sc_emb_body(q_hbm, pair_hbm, e_out, idx_v, gbuf, sem, osem):
    wid = lax.axis_index("s") * 2 + lax.axis_index("c")
    pltpu.sync_copy(q_hbm.at[wid], idx_v)

    def group(s, carry):
        c0 = pltpu.async_copy(
            pair_hbm.at[idx_v.at[2 * s]], gbuf.at[pl.ds(0, HALF)], sem)
        c1 = pltpu.async_copy(
            pair_hbm.at[idx_v.at[2 * s + 1]], gbuf.at[pl.ds(HALF, HALF)], sem)
        c0.wait()
        c1.wait()
        row = wid * ROWS_PW + 8 * s
        outs = [
            pltpu.async_copy(
                gbuf.at[pl.ds(8 * f, 8), :],
                e_out.at[pl.ds(row, 8), pl.ds(128 * f, 128)],
                osem)
            for f in range(F)
        ]
        for c in outs:
            c.wait()
        return carry

    lax.fori_loop(0, NGRP, group, 0)


@functools.lru_cache(maxsize=1)
def _sc_emb():
    return functools.partial(
        pl.kernel,
        mesh=plsc.VectorSubcoreMesh(core_axis_name="c", subcore_axis_name="s"),
        out_type=jax.ShapeDtypeStruct((B, F * 128), jnp.float32),
        scratch_types=[
            pltpu.VMEM((2 * NGRP, HALF), jnp.int32),
            pltpu.VMEM((2 * HALF, 128), jnp.float32),
            pltpu.SemaphoreType.DMA,
            pltpu.SemaphoreType.DMA,
        ],
    )(_sc_emb_body)


_WL_ROWS = 2600960 // 128
_WIN = 792


def _sc_lin_body(xt_hbm, wl_hbm, wl_out, row_v, idx_v, out_v, sem):
    wid = lax.axis_index("s") * 2 + lax.axis_index("c")

    @pl.when(wid < F)
    def _():
        r0 = pl.multiple_of(((wid * V) >> 7) & ~7, 8)
        off = wid * V - (r0 << 7)
        pltpu.sync_copy(wl_hbm.at[pl.ds(r0, _WIN), :], row_v)
        pltpu.sync_copy(xt_hbm.at[wid], idx_v)

        def step(i, carry):
            g = idx_v[pl.ds(i * 16, 16)] + off
            out_v[pl.ds(i * 16, 16)] = plsc.load_gather(
                row_v, [g >> 7, g & 127])
            return carry

        lax.fori_loop(0, B // 16, step, 0)
        pltpu.sync_copy(out_v, wl_out.at[wid])


@functools.lru_cache(maxsize=1)
def _sc_lin():
    return functools.partial(
        pl.kernel,
        mesh=plsc.VectorSubcoreMesh(core_axis_name="c", subcore_axis_name="s"),
        out_type=jax.ShapeDtypeStruct((F, B), jnp.float32),
        compiler_params=pltpu.CompilerParams(needs_layout_passes=False),
        scratch_types=[
            pltpu.VMEM((_WIN, 128), jnp.float32),
            pltpu.VMEM((B,), jnp.int32),
            pltpu.VMEM((B,), jnp.float32),
            pltpu.SemaphoreType.DMA,
        ],
    )(_sc_lin_body)


def _tc_body(e_ref, wl_ref, w1_ref, p_ref, w2_ref, wout_ref, sc_ref,
             out_ref):
    pieces = []
    acc_s = None
    acc_q = None
    for f in range(F):
        sel = e_ref[:, 128 * f:128 * f + D]
        pieces.append(sel)
        if acc_s is None:
            acc_s = sel
            acc_q = sel * sel
        else:
            acc_s = acc_s + sel
            acc_q = acc_q + sel * sel
    fm = 0.5 * jnp.sum(acc_s * acc_s - acc_q, axis=1)
    lin = jnp.sum(wl_ref[...], axis=0)
    e = jnp.concatenate(pieces, axis=1).astype(jnp.bfloat16)
    a1 = p_ref[1:2, :] * BN_INV
    d1 = p_ref[0:1, :] * a1 + p_ref[2:3, :]
    h = jnp.dot(e, w1_ref[...], preferred_element_type=jnp.float32)
    h = jnp.maximum(h * a1 + d1, 0.0).astype(jnp.bfloat16)
    a2 = p_ref[4:5, :] * BN_INV
    d2 = p_ref[3:4, :] * a2 + p_ref[5:6, :]
    h = jnp.dot(h, w2_ref[...], preferred_element_type=jnp.float32)
    h = jnp.maximum(h * a2 + d2, 0.0)
    mlp = jnp.sum(h * wout_ref[...], axis=1)
    z = lin + fm + mlp + sc_ref[0, 0]
    out_ref[...] = 1.0 / (1.0 + jnp.exp(-z))


def kernel(x, W_emb, W_lin, bias, W1, b1, g1, be1, W2, b2, g2, be2, Wout, bout):
    idx = x + jnp.asarray(_OFF)[None, :]
    q4 = (idx.reshape(NW, NGRP, 8, F)
             .transpose(0, 1, 3, 2)
             .reshape(NW, NGRP, 2, HALF)
             .reshape(NW, 2 * NGRP, HALF))
    W_pad = jnp.pad(W_emb, ((0, 0), (0, 128 - D)))
    e_cmp = _sc_emb()(q4, W_pad)
    wlp = jnp.pad(W_lin.reshape(-1),
                  (0, _WL_ROWS * 128 - TOTAL)).reshape(_WL_ROWS, 128)
    wl = _sc_lin()(x.T, wlp)

    P = jnp.stack([b1, g1, be1, b2, g2, be2])
    wout_row = Wout.reshape(1, -1)
    sc = (bias + bout).reshape(1, 1)

    bs = 512
    H = W1.shape[1]
    out = pl.pallas_call(
        _tc_body,
        grid=(B // bs,),
        in_specs=[
            pl.BlockSpec((bs, F * 128), lambda i: (i, 0)),
            pl.BlockSpec((F, bs), lambda i: (0, i)),
            pl.BlockSpec((F * D, H), lambda i: (0, 0)),
            pl.BlockSpec((6, H), lambda i: (0, 0)),
            pl.BlockSpec((H, H), lambda i: (0, 0)),
            pl.BlockSpec((1, H), lambda i: (0, 0)),
            pl.BlockSpec((1, 1), lambda i: (0, 0)),
        ],
        out_specs=pl.BlockSpec((bs,), lambda i: (i,)),
        out_shape=jax.ShapeDtypeStruct((B,), jnp.float32),
    )(e_cmp, wl, W1.astype(jnp.bfloat16), P,
      W2.astype(jnp.bfloat16), wout_row, sc)
    return out

# --- scband reference (transcript-rebuilt; emitter-appended) ---
"""Pipeline reference for scband-deep-factorization-machine-model-5677946765438 (READ-ONLY COPY).

The authoritative reference and input builder live on the scoring server;
editing this copy changes nothing except your own understanding.
"""

import jax, jax.numpy as jnp
import numpy as np

FIELD_DIMS = [100000] * 26
EMBED_DIM = 64
NUM_FIELDS = len(FIELD_DIMS)
TOTAL_ROWS = sum(FIELD_DIMS)
OFFSETS = jnp.asarray(np.concatenate(([0], np.cumsum(FIELD_DIMS)[:-1])).astype(np.int32))
BN_EPS = 1e-5


def setup_inputs(seed: int = 0) -> dict:
    key = jax.random.key(seed)
    ks = jax.random.split(key, 12)
    B, F = 4096, NUM_FIELDS
    x = jax.random.randint(ks[0], (B, F), 0, 100000, dtype=jnp.int32)
    W_emb = jax.random.normal(ks[1], (TOTAL_ROWS, EMBED_DIM), dtype=jnp.float32) * 0.01
    W_lin = jax.random.normal(ks[2], (TOTAL_ROWS, 1), dtype=jnp.float32) * 0.01
    bias = jnp.zeros((1,), jnp.float32)
    in_dim = F * EMBED_DIM
    W1 = jax.random.normal(ks[3], (in_dim, 400), dtype=jnp.float32) * (1.0 / np.sqrt(in_dim))
    b1 = jnp.zeros((400,), jnp.float32)
    g1 = jnp.ones((400,), jnp.float32)
    be1 = jnp.zeros((400,), jnp.float32)
    W2 = jax.random.normal(ks[4], (400, 400), dtype=jnp.float32) * (1.0 / np.sqrt(400))
    b2 = jnp.zeros((400,), jnp.float32)
    g2 = jnp.ones((400,), jnp.float32)
    be2 = jnp.zeros((400,), jnp.float32)
    Wout = jax.random.normal(ks[5], (400, 1), dtype=jnp.float32) * (1.0 / np.sqrt(400))
    bout = jnp.zeros((1,), jnp.float32)
    return {"x": x, "W_emb": W_emb, "W_lin": W_lin, "bias": bias,
            "W1": W1, "b1": b1, "g1": g1, "be1": be1,
            "W2": W2, "b2": b2, "g2": g2, "be2": be2,
            "Wout": Wout, "bout": bout}


def reference(x, W_emb, W_lin, bias, W1, b1, g1, be1, W2, b2, g2, be2, Wout, bout):
    # offsets so each field indexes its own slice of the shared table
    idx = x + OFFSETS[None, :]
    # FeaturesLinear: sum of per-feature scalar weights + bias -> (B, 1)
    linear = jnp.sum(jnp.take(W_lin, idx, axis=0), axis=1) + bias
    # FeaturesEmbedding: (B, F, D)
    e = jnp.take(W_emb, idx, axis=0)
    # FactorizationMachine (reduce_sum=True): 0.5 * sum((sum e)^2 - sum e^2) -> (B, 1)
    square_of_sum = jnp.sum(e, axis=1) ** 2
    sum_of_square = jnp.sum(e * e, axis=1)
    fm = 0.5 * jnp.sum(square_of_sum - sum_of_square, axis=1, keepdims=True)
    # MLP (eval mode: BatchNorm uses running stats mean=0, var=1; dropout = identity)
    h = e.reshape(e.shape[0], -1)
    h = h @ W1 + b1
    h = h / jnp.sqrt(1.0 + BN_EPS) * g1 + be1
    h = jax.nn.relu(h)
    h = h @ W2 + b2
    h = h / jnp.sqrt(1.0 + BN_EPS) * g2 + be2
    h = jax.nn.relu(h)
    mlp = h @ Wout + bout
    out = linear + fm + mlp
    return jax.nn.sigmoid(out.squeeze(1))

if __name__ == "__main__":
    import jax
    _d = setup_inputs()
    print(jax.jit(kernel)(*tuple(_d.values())))

</pallas_src>

<mosaic_0001>
#map = affine_map<(d0, d1) -> (0, 0)>
module attributes {stable_mosaic.version = 14 : i64} {
  func.func @_sc_lin_body(%arg0: i32, %arg1: i32, %arg2: memref<26x4096xi32, #tpu.memory_space<hbm>>, %arg3: memref<20320x128xf32, #tpu.memory_space<hbm>>, %arg4: memref<26x4096xf32, #tpu.memory_space<hbm>>, %arg5: memref<792x128xf32, #tpu.memory_space<vmem>>, %arg6: memref<4096xi32, #tpu.memory_space<vmem>>, %arg7: memref<4096xf32, #tpu.memory_space<vmem>>, %arg8: memref<!tpu.dma_semaphore, #tpu.memory_space<semaphore_mem>>) attributes {dimension_semantics = [#tpu.dimension_semantics<core_parallel>, #tpu.dimension_semantics<subcore_parallel>], iteration_bounds = array<i64: 2, 16>, scalar_prefetch = 0 : i64, scratch_operands = 4 : i64, tpu.core_type = #tpu.core_type<sc_vector_subcore>, window_params = [{transform_indices = #map}, {transform_indices = #map}, {transform_indices = #map}]} {
    %mul3A = arith.constant 2 : i32
    %mul3A_0 = arith.muli %arg1, %mul3A : i32
    %add3A = arith.addi %mul3A_0, %arg0 : i32
    %lt3A = arith.constant 26 : i32
    %lt3A_1 = arith.cmpi slt, %add3A, %lt3A : i32
    %convert_element_type3A = arith.extui %lt3A_1 : i1 to i32
    %cond3A = arith.constant 0 : i32
    %cond3A_2 = arith.cmpi ne, %convert_element_type3A, %cond3A : i32
    scf.if %cond3A_2 {
      %mul3A_3 = arith.constant 100000 : i32
      %mul3A_4 = arith.muli %add3A, %mul3A_3 : i32
      %shift_right_arithmetic3A = arith.constant 7 : i32
      %shift_right_arithmetic3A_5 = arith.shrsi %mul3A_4, %shift_right_arithmetic3A : i32
      %and3A = arith.constant -8 : i32
      %and3A_6 = arith.andi %shift_right_arithmetic3A_5, %and3A : i32
      %multiple_of3A = tpu.assume_multiple %and3A_6, 8 : i32
      %mul3A_7 = arith.constant 100000 : i32
      %mul3A_8 = arith.muli %add3A, %mul3A_7 : i32
      %shift_left3A = arith.constant 7 : i32
      %shift_left3A_9 = arith.shli %multiple_of3A, %shift_left3A : i32
      %sub3A = arith.subi %mul3A_8, %shift_left3A_9 : i32
      "tpu.region"() ({
        %run_scoped3A = tpu.sem_alloc : memref<!tpu.dma_semaphore, #tpu.memory_space<semaphore_mem>>
        %dma_start3A = arith.constant 0 : i32
        %dma_start3A_15 = tpu.memref_slice %arg3[%multiple_of3A, %dma_start3A] : memref<20320x128xf32, #tpu.memory_space<hbm>> -> memref<792x128xf32, #tpu.memory_space<hbm>>
        %dma_start3A_16 = arith.constant 0 : i32
        %dma_start3A_17 = tpu.memref_slice %arg3[%multiple_of3A, %dma_start3A_16] : memref<20320x128xf32, #tpu.memory_space<hbm>> -> memref<792x128xf32, #tpu.memory_space<hbm>>
        tpu.enqueue_dma source(%dma_start3A_17 : memref<792x128xf32, #tpu.memory_space<hbm>>) target(%arg5 : memref<792x128xf32, #tpu.memory_space<vmem>>) target_semaphore(%run_scoped3A : memref<!tpu.dma_semaphore, #tpu.memory_space<semaphore_mem>>)
        %dma_wait3A = arith.constant 0 : i32
        %dma_wait3A_18 = tpu.memref_slice %arg3[%multiple_of3A, %dma_wait3A] : memref<20320x128xf32, #tpu.memory_space<hbm>> -> memref<792x128xf32, #tpu.memory_space<hbm>>
        %dma_wait3A_19 = arith.constant 0 : i32
        %dma_wait3A_20 = tpu.memref_slice %arg3[%multiple_of3A, %dma_wait3A_19] : memref<20320x128xf32, #tpu.memory_space<hbm>> -> memref<792x128xf32, #tpu.memory_space<hbm>>
        tpu.wait_dma2 semaphore(%run_scoped3A : memref<!tpu.dma_semaphore, #tpu.memory_space<semaphore_mem>>) src(%dma_wait3A_20 : memref<792x128xf32, #tpu.memory_space<hbm>>) dst(%arg5 : memref<792x128xf32, #tpu.memory_space<vmem>>)
        tpu.yield
      }) : () -> ()
      "tpu.region"() ({
        %run_scoped3A = tpu.sem_alloc : memref<!tpu.dma_semaphore, #tpu.memory_space<semaphore_mem>>
        %dma_start3A = arith.constant 0 : i32
        %dma_start3A_15 = tpu.memref_slice %arg2[%add3A, %dma_start3A] : memref<26x4096xi32, #tpu.memory_space<hbm>> -> memref<1x4096xi32, #tpu.memory_space<hbm>>
        %dma_start3A_16 = tpu.memref_squeeze %dma_start3A_15 : memref<1x4096xi32, #tpu.memory_space<hbm>> -> memref<4096xi32, #tpu.memory_space<hbm>>
        %dma_start3A_17 = arith.constant 0 : i32
        %dma_start3A_18 = tpu.memref_slice %arg2[%add3A, %dma_start3A_17] : memref<26x4096xi32, #tpu.memory_space<hbm>> -> memref<1x4096xi32, #tpu.memory_space<hbm>>
        %dma_start3A_19 = tpu.memref_squeeze %dma_start3A_18 : memref<1x4096xi32, #tpu.memory_space<hbm>> -> memref<4096xi32, #tpu.memory_space<hbm>>
        tpu.enqueue_dma source(%dma_start3A_19 : memref<4096xi32, #tpu.memory_space<hbm>>) target(%arg6 : memref<4096xi32, #tpu.memory_space<vmem>>) target_semaphore(%run_scoped3A : memref<!tpu.dma_semaphore, #tpu.memory_space<semaphore_mem>>)
        %dma_wait3A = arith.constant 0 : i32
        %dma_wait3A_20 = tpu.memref_slice %arg2[%add3A, %dma_wait3A] : memref<26x4096xi32, #tpu.memory_space<hbm>> -> memref<1x4096xi32, #tpu.memory_space<hbm>>
        %dma_wait3A_21 = tpu.memref_squeeze %dma_wait3A_20 : memref<1x4096xi32, #tpu.memory_space<hbm>> -> memref<4096xi32, #tpu.memory_space<hbm>>
        %dma_wait3A_22 = arith.constant 0 : i32
        %dma_wait3A_23 = tpu.memref_slice %arg2[%add3A, %dma_wait3A_22] : memref<26x4096xi32, #tpu.memory_space<hbm>> -> memref<1x4096xi32, #tpu.memory_space<hbm>>
        %dma_wait3A_24 = tpu.memref_squeeze %dma_wait3A_23 : memref<1x4096xi32, #tpu.memory_space<hbm>> -> memref<4096xi32, #tpu.memory_space<hbm>>
        tpu.wait_dma2 semaphore(%run_scoped3A : memref<!tpu.dma_semaphore, #tpu.memory_space<semaphore_mem>>) src(%dma_wait3A_24 : memref<4096xi32, #tpu.memory_space<hbm>>) dst(%arg6 : memref<4096xi32, #tpu.memory_space<vmem>>)
        tpu.yield
      }) : () -> ()
      %scan3A = arith.constant 0 : i32
      %scan3A_10 = arith.constant 0 : i32
      %scan3A_11 = arith.constant 256 : i32
      %scan3A_12 = arith.addi %scan3A_10, %scan3A_11 : i32
      %scan3A_13 = arith.constant 1 : i32
      scf.for %scan3A_15 = %scan3A_10 to %scan3A_12 step %scan3A_13  : i32 {
        %mul3A_16 = arith.constant 16 : i32
        %mul3A_17 = arith.muli %scan3A_15, %mul3A_16 : i32
        %get3A = arith.index_cast %mul3A_17 : i32 to index
        %get3A_18 = tpu.vector_load %arg6[%get3A] {strides = array<i32>} : memref<4096xi32, #tpu.memory_space<vmem>>, vector<16xi32>,
        %add3A_19 = vector.broadcast %sub3A : i32 to vector<16xi32>
        %add3A_20 = arith.addi %get3A_18, %add3A_19 : vector<16xi32>
        %shift_right_arithmetic3A_21 = arith.constant 7 : i32
        %shift_right_arithmetic3A_22 = vector.broadcast %shift_right_arithmetic3A_21 : i32 to vector<16xi32>
        %shift_right_arithmetic3A_23 = arith.shrsi %add3A_20, %shift_right_arithmetic3A_22 : vector<16xi32>
        %and3A_24 = arith.constant 127 : i32
        %and3A_25 = vector.broadcast %and3A_24 : i32 to vector<16xi32>
        %and3A_26 = arith.andi %add3A_20, %and3A_25 : vector<16xi32>
        %gather3A = tpu.vector_load_idx %arg5[%shift_right_arithmetic3A_23, %and3A_26] : memref<792x128xf32, #tpu.memory_space<vmem>>[vector<16xi32>, vector<16xi32>], vector<16xf32>,
        %mul3A_27 = arith.constant 16 : i32
        %mul3A_28 = arith.muli %scan3A_15, %mul3A_27 : i32
        %swap3A = arith.index_cast %mul3A_28 : i32 to index
        %swap3A_29 = tpu.vector_load %arg7[%swap3A] {strides = array<i32>} : memref<4096xf32, #tpu.memory_space<vmem>>, vector<16xf32>,
        tpu.vector_store %arg7[%swap3A], %gather3A {strides = array<i32>} : memref<4096xf32, #tpu.memory_space<vmem>>, vector<16xf32>,
      }
      %scan3A_14 = arith.constant 256 : i32
      "tpu.region"() ({
        %run_scoped3A = tpu.sem_alloc : memref<!tpu.dma_semaphore, #tpu.memory_space<semaphore_mem>>
        %dma_start3A = arith.constant 0 : i32
        %dma_start3A_15 = tpu.memref_slice %arg4[%add3A, %dma_start3A] : memref<26x4096xf32, #tpu.memory_space<hbm>> -> memref<1x4096xf32, #tpu.memory_space<hbm>>
        %dma_start3A_16 = tpu.memref_squeeze %dma_start3A_15 : memref<1x4096xf32, #tpu.memory_space<hbm>> -> memref<4096xf32, #tpu.memory_space<hbm>>
        %dma_start3A_17 = arith.constant 0 : i32
        %dma_start3A_18 = tpu.memref_slice %arg4[%add3A, %dma_start3A_17] : memref<26x4096xf32, #tpu.memory_space<hbm>> -> memref<1x4096xf32, #tpu.memory_space<hbm>>
        %dma_start3A_19 = tpu.memref_squeeze %dma_start3A_18 : memref<1x4096xf32, #tpu.memory_space<hbm>> -> memref<4096xf32, #tpu.memory_space<hbm>>
        tpu.enqueue_dma source(%arg7 : memref<4096xf32, #tpu.memory_space<vmem>>) target(%dma_start3A_19 : memref<4096xf32, #tpu.memory_space<hbm>>) target_semaphore(%run_scoped3A : memref<!tpu.dma_semaphore, #tpu.memory_space<semaphore_mem>>)
        %dma_wait3A = arith.constant 0 : i32
        %dma_wait3A_20 = tpu.memref_slice %arg4[%add3A, %dma_wait3A] : memref<26x4096xf32, #tpu.memory_space<hbm>> -> memref<1x4096xf32, #tpu.memory_space<hbm>>
        %dma_wait3A_21 = tpu.memref_squeeze %dma_wait3A_20 : memref<1x4096xf32, #tpu.memory_space<hbm>> -> memref<4096xf32, #tpu.memory_space<hbm>>
        %dma_wait3A_22 = arith.constant 0 : i32
        %dma_wait3A_23 = tpu.memref_slice %arg4[%add3A, %dma_wait3A_22] : memref<26x4096xf32, #tpu.memory_space<hbm>> -> memref<1x4096xf32, #tpu.memory_space<hbm>>
        %dma_wait3A_24 = tpu.memref_squeeze %dma_wait3A_23 : memref<1x4096xf32, #tpu.memory_space<hbm>> -> memref<4096xf32, #tpu.memory_space<hbm>>
        tpu.wait_dma2 semaphore(%run_scoped3A : memref<!tpu.dma_semaphore, #tpu.memory_space<semaphore_mem>>) src(%arg7 : memref<4096xf32, #tpu.memory_space<vmem>>) dst(%dma_wait3A_24 : memref<4096xf32, #tpu.memory_space<hbm>>)
        tpu.yield
      }) : () -> ()
    } else {
    }
    return
  }
}

#map = affine_map<(d0, d1) -> (0, 0, 0)>
#map1 = affine_map<(d0, d1) -> (0, 0)>
module attributes {stable_mosaic.version = 14 : i64} {
  func.func @_sc_emb_body(%arg0: i32, %arg1: i32, %arg2: memref<32x32x104xi32, #tpu.memory_space<hbm>>, %arg3: memref<2600000x128xf32, #tpu.memory_space<hbm>>, %arg4: memref<4096x3328xf32, #tpu.memory_space<hbm>>, %arg5: memref<32x104xi32, #tpu.memory_space<vmem>>, %arg6: memref<208x128xf32, #tpu.memory_space<vmem>>, %arg7: memref<!tpu.dma_semaphore, #tpu.memory_space<semaphore_mem>>, %arg8: memref<!tpu.dma_semaphore, #tpu.memory_space<semaphore_mem>>) attributes {dimension_semantics = [#tpu.dimension_semantics<core_parallel>, #tpu.dimension_semantics<subcore_parallel>], iteration_bounds = array<i64: 2, 16>, scalar_prefetch = 0 : i64, scratch_operands = 4 : i64, tpu.core_type = #tpu.core_type<sc_vector_subcore>, window_params = [{transform_indices = #map}, {transform_indices = #map1}, {transform_indices = #map1}]} {
    %mul3A = arith.constant 2 : i32
    %mul3A_0 = arith.muli %arg1, %mul3A : i32
    %add3A = arith.addi %mul3A_0, %arg0 : i32
    "tpu.region"() ({
      %run_scoped3A = tpu.sem_alloc : memref<!tpu.dma_semaphore, #tpu.memory_space<semaphore_mem>>
      %dma_start3A = arith.constant 0 : i32
      %dma_start3A_6 = arith.constant 0 : i32
      %dma_start3A_7 = tpu.memref_slice %arg2[%add3A, %dma_start3A, %dma_start3A_6] : memref<32x32x104xi32, #tpu.memory_space<hbm>> -> memref<1x32x104xi32, #tpu.memory_space<hbm>>
      %dma_start3A_8 = tpu.memref_squeeze %dma_start3A_7 : memref<1x32x104xi32, #tpu.memory_space<hbm>> -> memref<32x104xi32, #tpu.memory_space<hbm>>
      %dma_start3A_9 = arith.constant 0 : i32
      %dma_start3A_10 = arith.constant 0 : i32
      %dma_start3A_11 = tpu.memref_slice %arg2[%add3A, %dma_start3A_9, %dma_start3A_10] : memref<32x32x104xi32, #tpu.memory_space<hbm>> -> memref<1x32x104xi32, #tpu.memory_space<hbm>>
      %dma_start3A_12 = tpu.memref_squeeze %dma_start3A_11 : memref<1x32x104xi32, #tpu.memory_space<hbm>> -> memref<32x104xi32, #tpu.memory_space<hbm>>
      tpu.enqueue_dma source(%dma_start3A_12 : memref<32x104xi32, #tpu.memory_space<hbm>>) target(%arg5 : memref<32x104xi32, #tpu.memory_space<vmem>>) target_semaphore(%run_scoped3A : memref<!tpu.dma_semaphore, #tpu.memory_space<semaphore_mem>>)
      %dma_wait3A = arith.constant 0 : i32
      %dma_wait3A_13 = arith.constant 0 : i32
      %dma_wait3A_14 = tpu.memref_slice %arg2[%add3A, %dma_wait3A, %dma_wait3A_13] : memref<32x32x104xi32, #tpu.memory_space<hbm>> -> memref<1x32x104xi32, #tpu.memory_space<hbm>>
      %dma_wait3A_15 = tpu.memref_squeeze %dma_wait3A_14 : memref<1x32x104xi32, #tpu.memory_space<hbm>> -> memref<32x104xi32, #tpu.memory_space<hbm>>
      %dma_wait3A_16 = arith.constant 0 : i32
      %dma_wait3A_17 = arith.constant 0 : i32
      %dma_wait3A_18 = tpu.memref_slice %arg2[%add3A, %dma_wait3A_16, %dma_wait3A_17] : memref<32x32x104xi32, #tpu.memory_space<hbm>> -> memref<1x32x104xi32, #tpu.memory_space<hbm>>
      %dma_wait3A_19 = tpu.memref_squeeze %dma_wait3A_18 : memref<1x32x104xi32, #tpu.memory_space<hbm>> -> memref<32x104xi32, #tpu.memory_space<hbm>>
      tpu.wait_dma2 semaphore(%run_scoped3A : memref<!tpu.dma_semaphore, #tpu.memory_space<semaphore_mem>>) src(%dma_wait3A_19 : memref<32x104xi32, #tpu.memory_space<hbm>>) dst(%arg5 : memref<32x104xi32, #tpu.memory_space<vmem>>)
      tpu.yield
    }) : () -> ()
    %scan3A = arith.constant 0 : i32
    %scan3A_1 = arith.constant 0 : i32
    %scan3A_2 = arith.constant 16 : i32
    %scan3A_3 = arith.addi %scan3A_1, %scan3A_2 : i32
    %scan3A_4 = arith.constant 1 : i32
    scf.for %scan3A_6 = %scan3A_1 to %scan3A_3 step %scan3A_4  : i32 {
      %mul3A_7 = arith.constant 2 : i32
      %mul3A_8 = arith.muli %mul3A_7, %scan3A_6 : i32
      %dma_start3A = arith.constant 0 : i32
      %dma_start3A_9 = arith.constant 0 : i32
      %dma_start3A_10 = tpu.memref_slice %arg6[%dma_start3A, %dma_start3A_9] : memref<208x128xf32, #tpu.memory_space<vmem>> -> memref<104x128xf32, #tpu.memory_space<vmem>>
      %dma_start3A_11 = arith.constant 0 : i32
      %dma_start3A_12 = tpu.memref_slice %arg5[%mul3A_8, %dma_start3A_11] : memref<32x104xi32, #tpu.memory_space<vmem>> -> memref<1x104xi32, #tpu.memory_space<vmem>>
      %dma_start3A_13 = tpu.memref_squeeze %dma_start3A_12 : memref<1x104xi32, #tpu.memory_space<vmem>> -> memref<104xi32, #tpu.memory_space<vmem>>
      %dma_start3A_14 = arith.constant 0 : i32
      %dma_start3A_15 = arith.constant 0 : i32
      %dma_start3A_16 = tpu.memref_slice %arg3[%dma_start3A_14, %dma_start3A_15] : memref<2600000x128xf32, #tpu.memory_space<hbm>> -> memref<2600000x128xf32, #tpu.memory_space<hbm>>
      tpu.enqueue_indirect_dma source(%dma_start3A_16 : memref<2600000x128xf32, #tpu.memory_space<hbm>>) target(%dma_start3A_10 : memref<104x128xf32, #tpu.memory_space<vmem>>) offsets(%dma_start3A_13 : memref<104xi32, #tpu.memory_space<vmem>>) semaphore(%arg7 : memref<!tpu.dma_semaphore, #tpu.memory_space<semaphore_mem>>)
      %mul3A_17 = arith.constant 2 : i32
      %mul3A_18 = arith.muli %mul3A_17, %scan3A_6 : i32
      %add3A_19 = arith.constant 1 : i32
      %add3A_20 = arith.addi %mul3A_18, %add3A_19 : i32
      %dma_start3A_21 = arith.constant 104 : i32
      %dma_start3A_22 = arith.constant 0 : i32
      %dma_start3A_23 = tpu.memref_slice %arg6[%dma_start3A_21, %dma_start3A_22] : memref<208x128xf32, #tpu.memory_space<vmem>> -> memref<104x128xf32, #tpu.memory_space<vmem>>
      %dma_start3A_24 = arith.constant 0 : i32
      %dma_start3A_25 = tpu.memref_slice %arg5[%add3A_20, %dma_start3A_24] : memref<32x104xi32, #tpu.memory_space<vmem>> -> memref<1x104xi32, #tpu.memory_space<vmem>>
      %dma_start3A_26 = tpu.memref_squeeze %dma_start3A_25 : memref<1x104xi32, #tpu.memory_space<vmem>> -> memref<104xi32, #tpu.memory_space<vmem>>
      %dma_start3A_27 = arith.constant 0 : i32
      %dma_start3A_28 = arith.constant 0 : i32
      %dma_start3A_29 = tpu.memref_slice %arg3[%dma_start3A_27, %dma_start3A_28] : memref<2600000x128xf32, #tpu.memory_space<hbm>> -> memref<2600000x128xf32, #tpu.memory_space<hbm>>
      tpu.enqueue_indirect_dma source(%dma_start3A_29 : memref<2600000x128xf32, #tpu.memory_space<hbm>>) target(%dma_start3A_23 : memref<104x128xf32, #tpu.memory_space<vmem>>) offsets(%dma_start3A_26 : memref<104xi32, #tpu.memory_space<vmem>>) semaphore(%arg7 : memref<!tpu.dma_semaphore, #tpu.memory_space<semaphore_mem>>)
      %dma_wait3A = arith.constant 0 : i32
      %dma_wait3A_30 = arith.constant 0 : i32
      %dma_wait3A_31 = tpu.memref_slice %arg6[%dma_wait3A, %dma_wait3A_30] : memref<208x128xf32, #tpu.memory_space<vmem>> -> memref<104x128xf32, #tpu.memory_space<vmem>>
      %dma_wait3A_32 = arith.constant 0 : i32
      %dma_wait3A_33 = tpu.memref_slice %arg5[%mul3A_8, %dma_wait3A_32] : memref<32x104xi32, #tpu.memory_space<vmem>> -> memref<1x104xi32, #tpu.memory_space<vmem>>
      %dma_wait3A_34 = tpu.memref_squeeze %dma_wait3A_33 : memref<1x104xi32, #tpu.memory_space<vmem>> -> memref<104xi32, #tpu.memory_space<vmem>>
      %dma_wait3A_35 = arith.constant 0 : i32
      %dma_wait3A_36 = arith.constant 0 : i32
      %dma_wait3A_37 = tpu.memref_slice %arg3[%dma_wait3A_35, %dma_wait3A_36] : memref<2600000x128xf32, #tpu.memory_space<hbm>> -> memref<2600000x128xf32, #tpu.memory_space<hbm>>
      tpu.wait_indirect_dma semaphore(%arg7 : memref<!tpu.dma_semaphore, #tpu.memory_space<semaphore_mem>>) src(%dma_wait3A_37 : memref<2600000x128xf32, #tpu.memory_space<hbm>>) dst(%dma_wait3A_31 : memref<104x128xf32, #tpu.memory_space<vmem>>)
      %dma_wait3A_38 = arith.constant 104 : i32
      %dma_wait3A_39 = arith.constant 0 : i32
      %dma_wait3A_40 = tpu.memref_slice %arg6[%dma_wait3A_38, %dma_wait3A_39] : memref<208x128xf32, #tpu.memory_space<vmem>> -> memref<104x128xf32, #tpu.memory_space<vmem>>
      %dma_wait3A_41 = arith.constant 0 : i32
      %dma_wait3A_42 = tpu.memref_slice %arg5[%add3A_20, %dma_wait3A_41] : memref<32x104xi32, #tpu.memory_space<vmem>> -> memref<1x104xi32, #tpu.memory_space<vmem>>
      %dma_wait3A_43 = tpu.memref_squeeze %dma_wait3A_42 : memref<1x104xi32, #tpu.memory_space<vmem>> -> memref<104xi32, #tpu.memory_space<vmem>>
      %dma_wait3A_44 = arith.constant 0 : i32
      %dma_wait3A_45 = arith.constant 0 : i32
      %dma_wait3A_46 = tpu.memref_slice %arg3[%dma_wait3A_44, %dma_wait3A_45] : memref<2600000x128xf32, #tpu.memory_space<hbm>> -> memref<2600000x128xf32, #tpu.memory_space<hbm>>
      tpu.wait_indirect_dma semaphore(%arg7 : memref<!tpu.dma_semaphore, #tpu.memory_space<semaphore_mem>>) src(%dma_wait3A_46 : memref<2600000x128xf32, #tpu.memory_space<hbm>>) dst(%dma_wait3A_40 : memref<104x128xf32, #tpu.memory_space<vmem>>)
      %mul3A_47 = arith.constant 128 : i32
      %mul3A_48 = arith.muli %add3A, %mul3A_47 : i32
      %mul3A_49 = arith.constant 8 : i32
      %mul3A_50 = arith.muli %mul3A_49, %scan3A_6 : i32
      %add3A_51 = arith.addi %mul3A_48, %mul3A_50 : i32
      %dma_start3A_52 = arith.constant 0 : i32
      %dma_start3A_53 = arith.constant 0 : i32
      %dma_start3A_54 = tpu.memref_slice %arg6[%dma_start3A_52, %dma_start3A_53] : memref<208x128xf32, #tpu.memory_space<vmem>> -> memref<8x128xf32, #tpu.memory_space<vmem>>
      %dma_start3A_55 = arith.constant 0 : i32
      %dma_start3A_56 = tpu.memref_slice %arg4[%add3A_51, %dma_start3A_55] : memref<4096x3328xf32, #tpu.memory_space<hbm>> -> memref<8x128xf32, #tpu.memory_space<hbm>>
      %dma_start3A_57 = arith.constant 0 : i32
      %dma_start3A_58 = tpu.memref_slice %arg4[%add3A_51, %dma_start3A_57] : memref<4096x3328xf32, #tpu.memory_space<hbm>> -> memref<8x128xf32, #tpu.memory_space<hbm>>
      %dma_start3A_59 = arith.constant 0 : i32
      %dma_start3A_60 = arith.constant 0 : i32
      %dma_start3A_61 = tpu.memref_slice %arg6[%dma_start3A_59, %dma_start3A_60] : memref<208x128xf32, #tpu.memory_space<vmem>> -> memref<8x128xf32, #tpu.memory_space<vmem>>
      tpu.enqueue_dma source(%dma_start3A_61 : memref<8x128xf32, #tpu.memory_space<vmem>>) target(%dma_start3A_58 : memref<8x128xf32, #tpu.memory_space<hbm>>) target_semaphore(%arg8 : memref<!tpu.dma_semaphore, #tpu.memory_space<semaphore_mem>>)
      %dma_start3A_62 = arith.constant 8 : i32
      %dma_start3A_63 = arith.constant 0 : i32
      %dma_start3A_64 = tpu.memref_slice %arg6[%dma_start3A_62, %dma_start3A_63] : memref<208x128xf32, #tpu.memory_space<vmem>> -> memref<8x128xf32, #tpu.memory_space<vmem>>
      %dma_start3A_65 = arith.constant 128 : i32
      %dma_start3A_66 = tpu.memref_slice %arg4[%add3A_51, %dma_start3A_65] : memref<4096x3328xf32, #tpu.memory_space<hbm>> -> memref<8x128xf32, #tpu.memory_space<hbm>>
      %dma_start3A_67 = arith.constant 128 : i32
      %dma_start3A_68 = tpu.memref_slice %arg4[%add3A_51, %dma_start3A_67] : memref<4096x3328xf32, #tpu.memory_space<hbm>> -> memref<8x128xf32, #tpu.memory_space<hbm>>
      %dma_start3A_69 = arith.constant 8 : i32
      %dma_start3A_70 = arith.constant 0 : i32
      %dma_start3A_71 = tpu.memref_slice %arg6[%dma_start3A_69, %dma_start3A_70] : memref<208x128xf32, #tpu.memory_space<vmem>> -> memref<8x128xf32, #tpu.memory_space<vmem>>
      tpu.enqueue_dma source(%dma_start3A_71 : memref<8x128xf32, #tpu.memory_space<vmem>>) target(%dma_start3A_68 : memref<8x128xf32, #tpu.memory_space<hbm>>) target_semaphore(%arg8 : memref<!tpu.dma_semaphore, #tpu.memory_space<semaphore_mem>>)
      %dma_start3A_72 = arith.constant 16 : i32
      %dma_start3A_73 = arith.constant 0 : i32
      %dma_start3A_74 = tpu.memref_slice %arg6[%dma_start3A_72, %dma_start3A_73] : memref<208x128xf32, #tpu.memory_space<vmem>> -> memref<8x128xf32, #tpu.memory_space<vmem>>
      %dma_start3A_75 = arith.constant 256 : i32
      %dma_start3A_76 = tpu.memref_slice %arg4[%add3A_51, %dma_start3A_75] : memref<4096x3328xf32, #tpu.memory_space<hbm>> -> memref<8x128xf32, #tpu.memory_space<hbm>>
      %dma_start3A_77 = arith.constant 256 : i32
      %dma_start3A_78 = tpu.memref_slice %arg4[%add3A_51, %dma_start3A_77] : memref<4096x3328xf32, #tpu.memory_space<hbm>> -> memref<8x128xf32, #tpu.memory_space<hbm>>
      %dma_start3A_79 = arith.constant 16 : i32
      %dma_start3A_80 = arith.constant 0 : i32
      %dma_start3A_81 = tpu.memref_slice %arg6[%dma_start3A_79, %dma_start3A_80] : memref<208x128xf32, #tpu.memory_space<vmem>> -> memref<8x128xf32, #tpu.memory_space<vmem>>
      tpu.enqueue_dma source(%dma_start3A_81 : memref<8x128xf32, #tpu.memory_space<vmem>>) target(%dma_start3A_78 : memref<8x128xf32, #tpu.memory_space<hbm>>) target_semaphore(%arg8 : memref<!tpu.dma_semaphore, #tpu.memory_space<semaphore_mem>>)
      %dma_start3A_82 = arith.constant 24 : i32
      %dma_start3A_83 = arith.constant 0 : i32
      %dma_start3A_84 = tpu.memref_slice %arg6[%dma_start3A_82, %dma_start3A_83] : memref<208x128xf32, #tpu.memory_space<vmem>> -> memref<8x128xf32, #tpu.memory_space<vmem>>
      %dma_start3A_85 = arith.constant 384 : i32
      %dma_start3A_86 = tpu.memref_slice %arg4[%add3A_51, %dma_start3A_85] : memref<4096x3328xf32, #tpu.memory_space<hbm>> -> memref<8x128xf32, #tpu.memory_space<hbm>>
      %dma_start3A_87 = arith.constant 384 : i32
      %dma_start3A_88 = tpu.memref_slice %arg4[%add3A_51, %dma_start3A_87] : memref<4096x3328xf32, #tpu.memory_space<hbm>> -> memref<8x128xf32, #tpu.memory_space<hbm>>
      %dma_start3A_89 = arith.constant 24 : i32
      %dma_start3A_90 = arith.constant 0 : i32
      %dma_start3A_91 = tpu.memref_slice %arg6[%dma_start3A_89, %dma_start3A_90] : memref<208x128xf32, #tpu.memory_space<vmem>> -> memref<8x128xf32, #tpu.memory_space<vmem>>
      tpu.enqueue_dma source(%dma_start3A_91 : memref<8x128xf32, #tpu.memory_space<vmem>>) target(%dma_start3A_88 : memref<8x128xf32, #tpu.memory_space<hbm>>) target_semaphore(%arg8 : memref<!tpu.dma_semaphore, #tpu.memory_space<semaphore_mem>>)
      %dma_start3A_92 = arith.constant 32 : i32
      %dma_start3A_93 = arith.constant 0 : i32
      %dma_start3A_94 = tpu.memref_slice %arg6[%dma_start3A_92, %dma_start3A_93] : memref<208x128xf32, #tpu.memory_space<vmem>> -> memref<8x128xf32, #tpu.memory_space<vmem>>
      %dma_start3A_95 = arith.constant 512 : i32
      %dma_start3A_96 = tpu.memref_slice %arg4[%add3A_51, %dma_start3A_95] : memref<4096x3328xf32, #tpu.memory_space<hbm>> -> memref<8x128xf32, #tpu.memory_space<hbm>>
      %dma_start3A_97 = arith.constant 512 : i32
      %dma_start3A_98 = tpu.memref_slice %arg4[%add3A_51, %dma_start3A_97] : memref<4096x3328xf32, #tpu.memory_space<hbm>> -> memref<8x128xf32, #tpu.memory_space<hbm>>
      %dma_start3A_99 = arith.constant 32 : i32
      %dma_start3A_100 = arith.constant 0 : i32
      %dma_start3A_101 = tpu.memref_slice %arg6[%dma_start3A_99, %dma_start3A_100] : memref<208x128xf32, #tpu.memory_space<vmem>> -> memref<8x128xf32, #tpu.memory_space<vmem>>
      tpu.enqueue_dma source(%dma_start3A_101 : memref<8x128xf32, #tpu.memory_space<vmem>>) target(%dma_start3A_98 : memref<8x128xf32, #tpu.memory_space<hbm>>) target_semaphore(%arg8 : memref<!tpu.dma_semaphore, #tpu.memory_space<semaphore_mem>>)
      %dma_start3A_102 = arith.constant 40 : i32
      %dma_start3A_103 = arith.constant 0 : i32
      %dma_start3A_104 = tpu.memref_slice %arg6[%dma_start3A_102, %dma_start3A_103] : memref<208x128xf32, #tpu.memory_space<vmem>> -> memref<8x128xf32, #tpu.memory_space<vmem>>
      %dma_start3A_105 = arith.constant 640 : i32
      %dma_start3A_106 = tpu.memref_slice %arg4[%add3A_51, %dma_start3A_105] : memref<4096x3328xf32, #tpu.memory_space<hbm>> -> memref<8x128xf32, #tpu.memory_space<hbm>>
      %dma_start3A_107 = arith.constant 640 : i32
      %dma_start3A_108 = tpu.memref_slice %arg4[%add3A_51, %dma_start3A_107] : memref<4096x3328xf32, #tpu.memory_space<hbm>> -> memref<8x128xf32, #tpu.memory_space<hbm>>
      %dma_start3A_109 = arith.constant 40 : i32
      %dma_start3A_110 = arith.constant 0 : i32
      %dma_start3A_111 = tpu.memref_slice %arg6[%dma_start3A_109, %dma_start3A_110] : memref<208x128xf32, #tpu.memory_space<vmem>> -> memref<8x128xf32, #tpu.memory_space<vmem>>
      tpu.enqueue_dma source(%dma_start3A_111 : memref<8x128xf32, #tpu.memory_space<vmem>>) target(%dma_start3A_108 : memref<8x128xf32, #tpu.memory_space<hbm>>) target_semaphore(%arg8 : memref<!tpu.dma_semaphore, #tpu.memory_space<semaphore_mem>>)
      %dma_start3A_112 = arith.constant 48 : i32
      %dma_start3A_113 = arith.constant 0 : i32
      %dma_start3A_114 = tpu.memref_slice %arg6[%dma_start3A_112, %dma_start3A_113] : memref<208x128xf32, #tpu.memory_space<vmem>> -> memref<8x128xf32, #tpu.memory_space<vmem>>
      %dma_start3A_115 = arith.constant 768 : i32
      %dma_start3A_116 = tpu.memref_slice %arg4[%add3A_51, %dma_start3A_115] : memref<4096x3328xf32, #tpu.memory_space<hbm>> -> memref<8x128xf32, #tpu.memory_space<hbm>>
      %dma_start3A_117 = arith.constant 768 : i32
      %dma_start3A_118 = tpu.memref_slice %arg4[%add3A_51, %dma_start3A_117] : memref<4096x3328xf32, #tpu.memory_space<hbm>> -> memref<8x128xf32, #tpu.memory_space<hbm>>
      %dma_start3A_119 = arith.constant 48 : i32
      %dma_start3A_120 = arith.constant 0 : i32
      %dma_start3A_121 = tpu.memref_slice %arg6[%dma_start3A_119, %dma_start3A_120] : memref<208x128xf32, #tpu.memory_space<vmem>> -> memref<8x128xf32, #tpu.memory_space<vmem>>
      tpu.enqueue_dma source(%dma_start3A_121 : memref<8x128xf32, #tpu.memory_space<vmem>>) target(%dma_start3A_118 : memref<8x128xf32, #tpu.memory_space<hbm>>) target_semaphore(%arg8 : memref<!tpu.dma_semaphore, #tpu.memory_space<semaphore_mem>>)
      %dma_start3A_122 = arith.constant 56 : i32
      %dma_start3A_123 = arith.constant 0 : i32
      %dma_start3A_124 = tpu.memref_slice %arg6[%dma_start3A_122, %dma_start3A_123] : memref<208x128xf32, #tpu.memory_space<vmem>> -> memref<8x128xf32, #tpu.memory_space<vmem>>
      %dma_start3A_125 = arith.constant 896 : i32
      %dma_start3A_126 = tpu.memref_slice %arg4[%add3A_51, %dma_start3A_125] : memref<4096x3328xf32, #tpu.memory_space<hbm>> -> memref<8x128xf32, #tpu.memory_space<hbm>>
      %dma_start3A_127 = arith.constant 896 : i32
      %dma_start3A_128 = tpu.memref_slice %arg4[%add3A_51, %dma_start3A_127] : memref<4096x3328xf32, #tpu.memory_space<hbm>> -> memref<8x128xf32, #tpu.memory_space<hbm>>
      %dma_start3A_129 = arith.constant 56 : i32
      %dma_start3A_130 = arith.constant 0 : i32
      %dma_start3A_131 = tpu.memref_slice %arg6[%dma_start3A_129, %dma_start3A_130] : memref<208x128xf32, #tpu.memory_space<vmem>> -> memref<8x128xf32, #tpu.memory_space<vmem>>
      tpu.enqueue_dma source(%dma_start3A_131 : memref<8x128xf32, #tpu.memory_space<vmem>>) target(%dma_start3A_128 : memref<8x128xf32, #tpu.memory_space<hbm>>) target_semaphore(%arg8 : memref<!tpu.dma_semaphore, #tpu.memory_space<semaphore_mem>>)
      %dma_start3A_132 = arith.constant 64 : i32
      %dma_start3A_133 = arith.constant 0 : i32
      %dma_start3A_134 = tpu.memref_slice %arg6[%dma_start3A_132, %dma_start3A_133] : memref<208x128xf32, #tpu.memory_space<vmem>> -> memref<8x128xf32, #tpu.memory_space<vmem>>
      %dma_start3A_135 = arith.constant 1024 : i32
      %dma_start3A_136 = tpu.memref_slice %arg4[%add3A_51, %dma_start3A_135] : memref<4096x3328xf32, #tpu.memory_space<hbm>> -> memref<8x128xf32, #tpu.memory_space<hbm>>
      %dma_start3A_137 = arith.constant 1024 : i32
      %dma_start3A_138 = tpu.memref_slice %arg4[%add3A_51, %dma_start3A_137] : memref<4096x3328xf32, #tpu.memory_space<hbm>> -> memref<8x128xf32, #tpu.memory_space<hbm>>
      %dma_start3A_139 = arith.constant 64 : i32
      %dma_start3A_140 = arith.constant 0 : i32
      %dma_start3A_141 = tpu.memref_slice %arg6[%dma_start3A_139, %dma_start3A_140] : memref<208x128xf32, #tpu.memory_space<vmem>> -> memref<8x128xf32, #tpu.memory_space<vmem>>
      tpu.enqueue_dma source(%dma_start3A_141 : memref<8x128xf32, #tpu.memory_space<vmem>>) target(%dma_start3A_138 : memref<8x128xf32, #tpu.memory_space<hbm>>) target_semaphore(%arg8 : memref<!tpu.dma_semaphore, #tpu.memory_space<semaphore_mem>>)
      %dma_start3A_142 = arith.constant 72 : i32
      %dma_start3A_143 = arith.constant 0 : i32
      %dma_start3A_144 = tpu.memref_slice %arg6[%dma_start3A_142, %dma_start3A_143] : memref<208x128xf32, #tpu.memory_space<vmem>> -> memref<8x128xf32, #tpu.memory_space<vmem>>
      %dma_start3A_145 = arith.constant 1152 : i32
      %dma_start3A_146 = tpu.memref_slice %arg4[%add3A_51, %dma_start3A_145] : memref<4096x3328xf32, #tpu.memory_space<hbm>> -> memref<8x128xf32, #tpu.memory_space<hbm>>
      %dma_start3A_147 = arith.constant 1152 : i32
      %dma_start3A_148 = tpu.memref_slice %arg4[%add3A_51, %dma_start3A_147] : memref<4096x3328xf32, #tpu.memory_space<hbm>> -> memref<8x128xf32, #tpu.memory_space<hbm>>
      %dma_start3A_149 = arith.constant 72 : i32
      %dma_start3A_150 = arith.constant 0 : i32
      %dma_start3A_151 = tpu.memref_slice %arg6[%dma_start3A_149, %dma_start3A_150] : memref<208x128xf32, #tpu.memory_space<vmem>> -> memref<8x128xf32, #tpu.memory_space<vmem>>
      tpu.enqueue_dma source(%dma_start3A_151 : memref<8x128xf32, #tpu.memory_space<vmem>>) target(%dma_start3A_148 : memref<8x128xf32, #tpu.memory_space<hbm>>) target_semaphore(%arg8 : memref<!tpu.dma_semaphore, #tpu.memory_space<semaphore_mem>>)
      %dma_start3A_152 = arith.constant 80 : i32
      %dma_start3A_153 = arith.constant 0 : i32
      %dma_start3A_154 = tpu.memref_slice %arg6[%dma_start3A_152, %dma_start3A_153] : memref<208x128xf32, #tpu.memory_space<vmem>> -> memref<8x128xf32, #tpu.memory_space<vmem>>
      %dma_start3A_155 = arith.constant 1280 : i32
      %dma_start3A_156 = tpu.memref_slice %arg4[%add3A_51, %dma_start3A_155] : memref<4096x3328xf32, #tpu.memory_space<hbm>> -> memref<8x128xf32, #tpu.memory_space<hbm>>
      %dma_start3A_157 = arith.constant 1280 : i32
      %dma_start3A_158 = tpu.memref_slice %arg4[%add3A_51, %dma_start3A_157] : memref<4096x3328xf32, #tpu.memory_space<hbm>> -> memref<8x128xf32, #tpu.memory_space<hbm>>
      %dma_start3A_159 = arith.constant 80 : i32
      %dma_start3A_160 = arith.constant 0 : i32
      %dma_start3A_161 = tpu.memref_slice %arg6[%dma_start3A_159, %dma_start3A_160] : memref<208x128xf32, #tpu.memory_space<vmem>> -> memref<8x128xf32, #tpu.memory_space<vmem>>
      tpu.enqueue_dma source(%dma_start3A_161 : memref<8x128xf32, #tpu.memory_space<vmem>>) target(%dma_start3A_158 : memref<8x128xf32, #tpu.memory_space<hbm>>) target_semaphore(%arg8 : memref<!tpu.dma_semaphore, #tpu.memory_space<semaphore_mem>>)
      %dma_start3A_162 = arith.constant 88 : i32
      %dma_start3A_163 = arith.constant 0 : i32
      %dma_start3A_164 = tpu.memref_slice %arg6[%dma_start3A_162, %dma_start3A_163] : memref<208x128xf32, #tpu.memory_space<vmem>> -> memref<8x128xf32, #tpu.memory_space<vmem>>
      %dma_start3A_165 = arith.constant 1408 : i32
      %dma_start3A_166 = tpu.memref_slice %arg4[%add3A_51, %dma_start3A_165] : memref<4096x3328xf32, #tpu.memory_space<hbm>> -> memref<8x128xf32, #tpu.memory_space<hbm>>
      %dma_start3A_167 = arith.constant 1408 : i32
      %dma_start3A_168 = tpu.memref_slice %arg4[%add3A_51, %dma_start3A_167] : memref<4096x3328xf32, #tpu.memory_space<hbm>> -> memref<8x128xf32, #tpu.memory_space<hbm>>
      %dma_start3A_169 = arith.constant 88 : i32
      %dma_start3A_170 = arith.constant 0 : i32
      %dma_start3A_171 = tpu.memref_slice %arg6[%dma_start3A_169, %dma_start3A_170] : memref<208x128xf32, #tpu.memory_space<vmem>> -> memref<8x128xf32, #tpu.memory_space<vmem>>
      tpu.enqueue_dma source(%dma_start3A_171 : memref<8x128xf32, #tpu.memory_space<vmem>>) target(%dma_start3A_168 : memref<8x128xf32, #tpu.memory_space<hbm>>) target_semaphore(%arg8 : memref<!tpu.dma_semaphore, #tpu.memory_space<semaphore_mem>>)
      %dma_start3A_172 = arith.constant 96 : i32
      %dma_start3A_173 = arith.constant 0 : i32
      %dma_start3A_174 = tpu.memref_slice %arg6[%dma_start3A_172, %dma_start3A_173] : memref<208x128xf32, #tpu.memory_space<vmem>> -> memref<8x128xf32, #tpu.memory_space<vmem>>
      %dma_start3A_175 = arith.constant 1536 : i32
      %dma_start3A_176 = tpu.memref_slice %arg4[%add3A_51, %dma_start3A_175] : memref<4096x3328xf32, #tpu.memory_space<hbm>> -> memref<8x128xf32, #tpu.memory_space<hbm>>
      %dma_start3A_177 = arith.constant 1536 : i32
      %dma_start3A_178 = tpu.memref_slice %arg4[%add3A_51, %dma_start3A_177] : memref<4096x3328xf32, #tpu.memory_space<hbm>> -> memref<8x128xf32, #tpu.memory_space<hbm>>
      %dma_start3A_179 = arith.constant 96 : i32
      %dma_start3A_180 = arith.constant 0 : i32
      %dma_start3A_181 = tpu.memref_slice %arg6[%dma_start3A_179, %dma_start3A_180] : memref<208x128xf32, #tpu.memory_space<vmem>> -> memref<8x128xf32, #tpu.memory_space<vmem>>
      tpu.enqueue_dma source(%dma_start3A_181 : memref<8x128xf32, #tpu.memory_space<vmem>>) target(%dma_start3A_178 : memref<8x128xf32, #tpu.memory_space<hbm>>) target_semaphore(%arg8 : memref<!tpu.dma_semaphore, #tpu.memory_space<semaphore_mem>>)
      %dma_start3A_182 = arith.constant 104 : i32
      %dma_start3A_183 = arith.constant 0 : i32
      %dma_start3A_184 = tpu.memref_slice %arg6[%dma_start3A_182, %dma_start3A_183] : memref<208x128xf32, #tpu.memory_space<vmem>> -> memref<8x128xf32, #tpu.memory_space<vmem>>
      %dma_start3A_185 = arith.constant 1664 : i32
      %dma_start3A_186 = tpu.memref_slice %arg4[%add3A_51, %dma_start3A_185] : memref<4096x3328xf32, #tpu.memory_space<hbm>> -> memref<8x128xf32, #tpu.memory_space<hbm>>
      %dma_start3A_187 = arith.constant 1664 : i32
      %dma_start3A_188 = tpu.memref_slice %arg4[%add3A_51, %dma_start3A_187] : memref<4096x3328xf32, #tpu.memory_space<hbm>> -> memref<8x128xf32, #tpu.memory_space<hbm>>
      %dma_start3A_189 = arith.constant 104 : i32
      %dma_start3A_190 = arith.constant 0 : i32
      %dma_start3A_191 = tpu.memref_slice %arg6[%dma_start3A_189, %dma_start3A_190] : memref<208x128xf32, #tpu.memory_space<vmem>> -> memref<8x128xf32, #tpu.memory_space<vmem>>
      tpu.enqueue_dma source(%dma_start3A_191 : memref<8x128xf32, #tpu.memory_space<vmem>>) target(%dma_start3A_188 : memref<8x128xf32, #tpu.memory_space<hbm>>) target_semaphore(%arg8 : memref<!tpu.dma_semaphore, #tpu.memory_space<semaphore_mem>>)
      %dma_start3A_192 = arith.constant 112 : i32
      %dma_start3A_193 = arith.constant 0 : i32
      %dma_start3A_194 = tpu.memref_slice %arg6[%dma_start3A_192, %dma_start3A_193] : memref<208x128xf32, #tpu.memory_space<vmem>> -> memref<8x128xf32, #tpu.memory_space<vmem>>
      %dma_start3A_195 = arith.constant 1792 : i32
      %dma_start3A_196 = tpu.memref_slice %arg4[%add3A_51, %dma_start3A_195] : memref<4096x3328xf32, #tpu.memory_space<hbm>> -> memref<8x128xf32, #tpu.memory_space<hbm>>
      %dma_start3A_197 = arith.constant 1792 : i32
      %dma_start3A_198 = tpu.memref_slice %arg4[%add3A_51, %dma_start3A_197] : memref<4096x3328xf32, #tpu.memory_space<hbm>> -> memref<8x128xf32, #tpu.memory_space<hbm>>
      %dma_start3A_199 = arith.constant 112 : i32
      %dma_start3A_200 = arith.constant 0 : i32
      %dma_start3A_201 = tpu.memref_slice %arg6[%dma_start3A_199, %dma_start3A_200] : memref<208x128xf32, #tpu.memory_space<vmem>> -> memref<8x128xf32, #tpu.memory_space<vmem>>
      tpu.enqueue_dma source(%dma_start3A_201 : memref<8x128xf32, #tpu.memory_space<vmem>>) target(%dma_start3A_198 : memref<8x128xf32, #tpu.memory_space<hbm>>) target_semaphore(%arg8 : memref<!tpu.dma_semaphore, #tpu.memory_space<semaphore_mem>>)
      %dma_start3A_202 = arith.constant 120 : i32
      %dma_start3A_203 = arith.constant 0 : i32
      %dma_start3A_204 = tpu.memref_slice %arg6[%dma_start3A_202, %dma_start3A_203] : memref<208x128xf32, #tpu.memory_space<vmem>> -> memref<8x128xf32, #tpu.memory_space<vmem>>
      %dma_start3A_205 = arith.constant 1920 : i32
      %dma_start3A_206 = tpu.memref_slice %arg4[%add3A_51, %dma_start3A_205] : memref<4096x3328xf32, #tpu.memory_space<hbm>> -> memref<8x128xf32, #tpu.memory_space<hbm>>
      %dma_start3A_207 = arith.constant 1920 : i32
      %dma_start3A_208 = tpu.memref_slice %arg4[%add3A_51, %dma_start3A_207] : memref<4096x3328xf32, #tpu.memory_space<hbm>> -> memref<8x128xf32, #tpu.memory_space<hbm>>
      %dma_start3A_209 = arith.constant 120 : i32
      %dma_start3A_210 = arith.constant 0 : i32
      %dma_start3A_211 = tpu.memref_slice %arg6[%dma_start3A_209, %dma_start3A_210] : memref<208x128xf32, #tpu.memory_space<vmem>> -> memref<8x128xf32, #tpu.memory_space<vmem>>
      tpu.enqueue_dma source(%dma_start3A_211 : memref<8x128xf32, #tpu.memory_space<vmem>>) target(%dma_start3A_208 : memref<8x128xf32, #tpu.memory_space<hbm>>) target_semaphore(%arg8 : memref<!tpu.dma_semaphore, #tpu.memory_space<semaphore_mem>>)
      %dma_start3A_212 = arith.constant 128 : i32
      %dma_start3A_213 = arith.constant 0 : i32
      %dma_start3A_214 = tpu.memref_slice %arg6[%dma_start3A_212, %dma_start3A_213] : memref<208x128xf32, #tpu.memory_space<vmem>> -> memref<8x128xf32, #tpu.memory_space<vmem>>
      %dma_start3A_215 = arith.constant 2048 : i32
      %dma_start3A_216 = tpu.memref_slice %arg4[%add3A_51, %dma_start3A_215] : memref<4096x3328xf32, #tpu.memory_space<hbm>> -> memref<8x128xf32, #tpu.memory_space<hbm>>
      %dma_start3A_217 = arith.constant 2048 : i32
      %dma_start3A_218 = tpu.memref_slice %arg4[%add3A_51, %dma_start3A_217] : memref<4096x3328xf32, #tpu.memory_space<hbm>> -> memref<8x128xf32, #tpu.memory_space<hbm>>
      %dma_start3A_219 = arith.constant 128 : i32
      %dma_start3A_220 = arith.constant 0 : i32
      %dma_start3A_221 = tpu.memref_slice %arg6[%dma_start3A_219, %dma_start3A_220] : memref<208x128xf32, #tpu.memory_space<vmem>> -> memref<8x128xf32, #tpu.memory_space<vmem>>
      tpu.enqueue_dma source(%dma_start3A_221 : memref<8x128xf32, #tpu.memory_space<vmem>>) target(%dma_start3A_218 : memref<8x128xf32, #tpu.memory_space<hbm>>) target_semaphore(%arg8 : memref<!tpu.dma_semaphore, #tpu.memory_space<semaphore_mem>>)
      %dma_start3A_222 = arith.constant 136 : i32
      %dma_start3A_223 = arith.constant 0 : i32
      %dma_start3A_224 = tpu.memref_slice %arg6[%dma_start3A_222, %dma_start3A_223] : memref<208x128xf32, #tpu.memory_space<vmem>> -> memref<8x128xf32, #tpu.memory_space<vmem>>
      %dma_start3A_225 = arith.constant 2176 : i32
      %dma_start3A_226 = tpu.memref_slice %arg4[%add3A_51, %dma_start3A_225] : memref<4096x3328xf32, #tpu.memory_space<hbm>> -> memref<8x128xf32, #tpu.memory_space<hbm>>
      %dma_start3A_227 = arith.constant 2176 : i32
      %dma_start3A_228 = tpu.memref_slice %arg4[%add3A_51, %dma_start3A_227] : memref<4096x3328xf32, #tpu.memory_space<hbm>> -> memref<8x128xf32, #tpu.memory_space<hbm>>
      %dma_start3A_229 = arith.constant 136 : i32
      %dma_start3A_230 = arith.constant 0 : i32
      %dma_start3A_231 = tpu.memref_slice %arg6[%dma_start3A_229, %dma_start3A_230] : memref<208x128xf32, #tpu.memory_space<vmem>> -> memref<8x128xf32, #tpu.memory_space<vmem>>
      tpu.enqueue_dma source(%dma_start3A_231 : memref<8x128xf32, #tpu.memory_space<vmem>>) target(%dma_start3A_228 : memref<8x128xf32, #tpu.memory_space<hbm>>) target_semaphore(%arg8 : memref<!tpu.dma_semaphore, #tpu.memory_space<semaphore_mem>>)
      %dma_start3A_232 = arith.constant 144 : i32
      %dma_start3A_233 = arith.constant 0 : i32
      %dma_start3A_234 = tpu.memref_slice %arg6[%dma_start3A_232, %dma_start3A_233] : memref<208x128xf32, #tpu.memory_space<vmem>> -> memref<8x128xf32, #tpu.memory_space<vmem>>
      %dma_start3A_235 = arith.constant 2304 : i32
      %dma_start3A_236 = tpu.memref_slice %arg4[%add3A_51, %dma_start3A_235] : memref<4096x3328xf32, #tpu.memory_space<hbm>> -> memref<8x128xf32, #tpu.memory_space<hbm>>
      %dma_start3A_237 = arith.constant 2304 : i32
      %dma_start3A_238 = tpu.memref_slice %arg4[%add3A_51, %dma_start3A_237] : memref<4096x3328xf32, #tpu.memory_space<hbm>> -> memref<8x128xf32, #tpu.memory_space<hbm>>
      %dma_start3A_239 = arith.constant 144 : i32
      %dma_start3A_240 = arith.constant 0 : i32
      %dma_start3A_241 = tpu.memref_slice %arg6[%dma_start3A_239, %dma_start3A_240] : memref<208x128xf32, #tpu.memory_space<vmem>> -> memref<8x128xf32, #tpu.memory_space<vmem>>
      tpu.enqueue_dma source(%dma_start3A_241 : memref<8x128xf32, #tpu.memory_space<vmem>>) target(%dma_start3A_238 : memref<8x128xf32, #tpu.memory_space<hbm>>) target_semaphore(%arg8 : memref<!tpu.dma_semaphore, #tpu.memory_space<semaphore_mem>>)
      %dma_start3A_242 = arith.constant 152 : i32
      %dma_start3A_243 = arith.constant 0 : i32
      %dma_start3A_244 = tpu.memref_slice %arg6[%dma_start3A_242, %dma_start3A_243] : memref<208x128xf32, #tpu.memory_space<vmem>> -> memref<8x128xf32, #tpu.memory_space<vmem>>
      %dma_start3A_245 = arith.constant 2432 : i32
      %dma_start3A_246 = tpu.memref_slice %arg4[%add3A_51, %dma_start3A_245] : memref<4096x3328xf32, #tpu.memory_space<hbm>> -> memref<8x128xf32, #tpu.memory_space<hbm>>
      %dma_start3A_247 = arith.constant 2432 : i32
      %dma_start3A_248 = tpu.memref_slice %arg4[%add3A_51, %dma_start3A_247] : memref<4096x3328xf32, #tpu.memory_space<hbm>> -> memref<8x128xf32, #tpu.memory_space<hbm>>
      %dma_start3A_249 = arith.constant 152 : i32
      %dma_start3A_250 = arith.constant 0 : i32
      %dma_start3A_251 = tpu.memref_slice %arg6[%dma_start3A_249, %dma_start3A_250] : memref<208x128xf32, #tpu.memory_space<vmem>> -> memref<8x128xf32, #tpu.memory_space<vmem>>
      tpu.enqueue_dma source(%dma_start3A_251 : memref<8x128xf32, #tpu.memory_space<vmem>>) target(%dma_start3A_248 : memref<8x128xf32, #tpu.memory_space<hbm>>) target_semaphore(%arg8 : memref<!tpu.dma_semaphore, #tpu.memory_space<semaphore_mem>>)
      %dma_start3A_252 = arith.constant 160 : i32
      %dma_start3A_253 = arith.constant 0 : i32
      %dma_start3A_254 = tpu.memref_slice %arg6[%dma_start3A_252, %dma_start3A_253] : memref<208x128xf32, #tpu.memory_space<vmem>> -> memref<8x128xf32, #tpu.memory_space<vmem>>
      %dma_start3A_255 = arith.constant 2560 : i32
      %dma_start3A_256 = tpu.memref_slice %arg4[%add3A_51, %dma_start3A_255] : memref<4096x3328xf32, #tpu.memory_space<hbm>> -> memref<8x128xf32, #tpu.memory_space<hbm>>
      %dma_start3A_257 = arith.constant 2560 : i32
      %dma_start3A_258 = tpu.memref_slice %arg4[%add3A_51, %dma_start3A_257] : memref<4096x3328xf32, #tpu.memory_space<hbm>> -> memref<8x128xf32, #tpu.memory_space<hbm>>
      %dma_start3A_259 = arith.constant 160 : i32
      %dma_start3A_260 = arith.constant 0 : i32
      %dma_start3A_261 = tpu.memref_slice %arg6[%dma_start3A_259, %dma_start3A_260] : memref<208x128xf32, #tpu.memory_space<vmem>> -> memref<8x128xf32, #tpu.memory_space<vmem>>
      tpu.enqueue_dma source(%dma_start3A_261 : memref<8x128xf32, #tpu.memory_space<vmem>>) target(%dma_start3A_258 : memref<8x128xf32, #tpu.memory_space<hbm>>) target_semaphore(%arg8 : memref<!tpu.dma_semaphore, #tpu.memory_space<semaphore_mem>>)
      %dma_start3A_262 = arith.constant 168 : i32
      %dma_start3A_263 = arith.constant 0 : i32
      %dma_start3A_264 = tpu.memref_slice %arg6[%dma_start3A_262, %dma_start3A_263] : memref<208x128xf32, #tpu.memory_space<vmem>> -> memref<8x128xf32, #tpu.memory_space<vmem>>
      %dma_start3A_265 = arith.constant 2688 : i32
      %dma_start3A_266 = tpu.memref_slice %arg4[%add3A_51, %dma_start3A_265] : memref<4096x3328xf32, #tpu.memory_space<hbm>> -> memref<8x128xf32, #tpu.memory_space<hbm>>
      %dma_start3A_267 = arith.constant 2688 : i32
      %dma_start3A_268 = tpu.memref_slice %arg4[%add3A_51, %dma_start3A_267] : memref<4096x3328xf32, #tpu.memory_space<hbm>> -> memref<8x128xf32, #tpu.memory_space<hbm>>
      %dma_start3A_269 = arith.constant 168 : i32
      %dma_start3A_270 = arith.constant 0 : i32
      %dma_start3A_271 = tpu.memref_slice %arg6[%dma_start3A_269, %dma_start3A_270] : memref<208x128xf32, #tpu.memory_space<vmem>> -> memref<8x128xf32, #tpu.memory_space<vmem>>
      tpu.enqueue_dma source(%dma_start3A_271 : memref<8x128xf32, #tpu.memory_space<vmem>>) target(%dma_start3A_268 : memref<8x128xf32, #tpu.memory_space<hbm>>) target_semaphore(%arg8 : memref<!tpu.dma_semaphore, #tpu.memory_space<semaphore_mem>>)
      %dma_start3A_272 = arith.constant 176 : i32
      %dma_start3A_273 = arith.constant 0 : i32
      %dma_start3A_274 = tpu.memref_slice %arg6[%dma_start3A_272, %dma_start3A_273] : memref<208x128xf32, #tpu.memory_space<vmem>> -> memref<8x128xf32, #tpu.memory_space<vmem>>
      %dma_start3A_275 = arith.constant 2816 : i32
      %dma_start3A_276 = tpu.memref_slice %arg4[%add3A_51, %dma_start3A_275] : memref<4096x3328xf32, #tpu.memory_space<hbm>> -> memref<8x128xf32, #tpu.memory_space<hbm>>
      %dma_start3A_277 = arith.constant 2816 : i32
      %dma_start3A_278 = tpu.memref_slice %arg4[%add3A_51, %dma_start3A_277] : memref<4096x3328xf32, #tpu.memory_space<hbm>> -> memref<8x128xf32, #tpu.memory_space<hbm>>
      %dma_start3A_279 = arith.constant 176 : i32
      %dma_start3A_280 = arith.constant 0 : i32
      %dma_start3A_281 = tpu.memref_slice %arg6[%dma_start3A_279, %dma_start3A_280] : memref<208x128xf32, #tpu.memory_space<vmem>> -> memref<8x128xf32, #tpu.memory_space<vmem>>
      tpu.enqueue_dma source(%dma_start3A_281 : memref<8x128xf32, #tpu.memory_space<vmem>>) target(%dma_start3A_278 : memref<8x128xf32, #tpu.memory_space<hbm>>) target_semaphore(%arg8 : memref<!tpu.dma_semaphore, #tpu.memory_space<semaphore_mem>>)
      %dma_start3A_282 = arith.constant 184 : i32
      %dma_start3A_283 = arith.constant 0 : i32
      %dma_start3A_284 = tpu.memref_slice %arg6[%dma_start3A_282, %dma_start3A_283] : memref<208x128xf32, #tpu.memory_space<vmem>> -> memref<8x128xf32, #tpu.memory_space<vmem>>
      %dma_start3A_285 = arith.constant 2944 : i32
      %dma_start3A_286 = tpu.memref_slice %arg4[%add3A_51, %dma_start3A_285] : memref<4096x3328xf32, #tpu.memory_space<hbm>> -> memref<8x128xf32, #tpu.memory_space<hbm>>
      %dma_start3A_287 = arith.constant 2944 : i32
      %dma_start3A_288 = tpu.memref_slice %arg4[%add3A_51, %dma_start3A_287] : memref<4096x3328xf32, #tpu.memory_space<hbm>> -> memref<8x128xf32, #tpu.memory_space<hbm>>
      %dma_start3A_289 = arith.constant 184 : i32
      %dma_start3A_290 = arith.constant 0 : i32
      %dma_start3A_291 = tpu.memref_slice %arg6[%dma_start3A_289, %dma_start3A_290] : memref<208x128xf32, #tpu.memory_space<vmem>> -> memref<8x128xf32, #tpu.memory_space<vmem>>
      tpu.enqueue_dma source(%dma_start3A_291 : memref<8x128xf32, #tpu.memory_space<vmem>>) target(%dma_start3A_288 : memref<8x128xf32, #tpu.memory_space<hbm>>) target_semaphore(%arg8 : memref<!tpu.dma_semaphore, #tpu.memory_space<semaphore_mem>>)
      %dma_start3A_292 = arith.constant 192 : i32
      %dma_start3A_293 = arith.constant 0 : i32
      %dma_start3A_294 = tpu.memref_slice %arg6[%dma_start3A_292, %dma_start3A_293] : memref<208x128xf32, #tpu.memory_space<vmem>> -> memref<8x128xf32, #tpu.memory_space<vmem>>
      %dma_start3A_295 = arith.constant 3072 : i32
      %dma_start3A_296 = tpu.memref_slice %arg4[%add3A_51, %dma_start3A_295] : memref<4096x3328xf32, #tpu.memory_space<hbm>> -> memref<8x128xf32, #tpu.memory_space<hbm>>
      %dma_start3A_297 = arith.constant 3072 : i32
      %dma_start3A_298 = tpu.memref_slice %arg4[%add3A_51, %dma_start3A_297] : memref<4096x3328xf32, #tpu.memory_space<hbm>> -> memref<8x128xf32, #tpu.memory_space<hbm>>
      %dma_start3A_299 = arith.constant 192 : i32
      %dma_start3A_300 = arith.constant 0 : i32
      %dma_start3A_301 = tpu.memref_slice %arg6[%dma_start3A_299, %dma_start3A_300] : memref<208x128xf32, #tpu.memory_space<vmem>> -> memref<8x128xf32, #tpu.memory_space<vmem>>
      tpu.enqueue_dma source(%dma_start3A_301 : memref<8x128xf32, #tpu.memory_space<vmem>>) target(%dma_start3A_298 : memref<8x128xf32, #tpu.memory_space<hbm>>) target_semaphore(%arg8 : memref<!tpu.dma_semaphore, #tpu.memory_space<semaphore_mem>>)
      %dma_start3A_302 = arith.constant 200 : i32
      %dma_start3A_303 = arith.constant 0 : i32
      %dma_start3A_304 = tpu.memref_slice %arg6[%dma_start3A_302, %dma_start3A_303] : memref<208x128xf32, #tpu.memory_space<vmem>> -> memref<8x128xf32, #tpu.memory_space<vmem>>
      %dma_start3A_305 = arith.constant 3200 : i32
      %dma_start3A_306 = tpu.memref_slice %arg4[%add3A_51, %dma_start3A_305] : memref<4096x3328xf32, #tpu.memory_space<hbm>> -> memref<8x128xf32, #tpu.memory_space<hbm>>
      %dma_start3A_307 = arith.constant 3200 : i32
      %dma_start3A_308 = tpu.memref_slice %arg4[%add3A_51, %dma_start3A_307] : memref<4096x3328xf32, #tpu.memory_space<hbm>> -> memref<8x128xf32, #tpu.memory_space<hbm>>
      %dma_start3A_309 = arith.constant 200 : i32
      %dma_start3A_310 = arith.constant 0 : i32
      %dma_start3A_311 = tpu.memref_slice %arg6[%dma_start3A_309, %dma_start3A_310] : memref<208x128xf32, #tpu.memory_space<vmem>> -> memref<8x128xf32, #tpu.memory_space<vmem>>
      tpu.enqueue_dma source(%dma_start3A_311 : memref<8x128xf32, #tpu.memory_space<vmem>>) target(%dma_start3A_308 : memref<8x128xf32, #tpu.memory_space<hbm>>) target_semaphore(%arg8 : memref<!tpu.dma_semaphore, #tpu.memory_space<semaphore_mem>>)
      %dma_wait3A_312 = arith.constant 0 : i32
      %dma_wait3A_313 = arith.constant 0 : i32
      %dma_wait3A_314 = tpu.memref_slice %arg6[%dma_wait3A_312, %dma_wait3A_313] : memref<208x128xf32, #tpu.memory_space<vmem>> -> memref<8x128xf32, #tpu.memory_space<vmem>>
      %dma_wait3A_315 = arith.constant 0 : i32
      %dma_wait3A_316 = tpu.memref_slice %arg4[%add3A_51, %dma_wait3A_315] : memref<4096x3328xf32, #tpu.memory_space<hbm>> -> memref<8x128xf32, #tpu.memory_space<hbm>>
      %dma_wait3A_317 = arith.constant 0 : i32
      %dma_wait3A_318 = tpu.memref_slice %arg4[%add3A_51, %dma_wait3A_317] : memref<4096x3328xf32, #tpu.memory_space<hbm>> -> memref<8x128xf32, #tpu.memory_space<hbm>>
      %dma_wait3A_319 = arith.constant 0 : i32
      %dma_wait3A_320 = arith.constant 0 : i32
      %dma_wait3A_321 = tpu.memref_slice %arg6[%dma_wait3A_319, %dma_wait3A_320] : memref<208x128xf32, #tpu.memory_space<vmem>> -> memref<8x128xf32, #tpu.memory_space<vmem>>
      tpu.wait_dma2 semaphore(%arg8 : memref<!tpu.dma_semaphore, #tpu.memory_space<semaphore_mem>>) src(%dma_wait3A_321 : memref<8x128xf32, #tpu.memory_space<vmem>>) dst(%dma_wait3A_318 : memref<8x128xf32, #tpu.memory_space<hbm>>)
      %dma_wait3A_322 = arith.constant 8 : i32
      %dma_wait3A_323 = arith.constant 0 : i32
      %dma_wait3A_324 = tpu.memref_slice %arg6[%dma_wait3A_322, %dma_wait3A_323] : memref<208x128xf32, #tpu.memory_space<vmem>> -> memref<8x128xf32, #tpu.memory_space<vmem>>
      %dma_wait3A_325 = arith.constant 128 : i32
      %dma_wait3A_326 = tpu.memref_slice %arg4[%add3A_51, %dma_wait3A_325] : memref<4096x3328xf32, #tpu.memory_space<hbm>> -> memref<8x128xf32, #tpu.memory_space<hbm>>
      %dma_wait3A_327 = arith.constant 128 : i32
      %dma_wait3A_328 = tpu.memref_slice %arg4[%add3A_51, %dma_wait3A_327] : memref<4096x3328xf32, #tpu.memory_space<hbm>> -> memref<8x128xf32, #tpu.memory_space<hbm>>
      %dma_wait3A_329 = arith.constant 8 : i32
      %dma_wait3A_330 = arith.constant 0 : i32
      %dma_wait3A_331 = tpu.memref_slice %arg6[%dma_wait3A_329, %dma_wait3A_330] : memref<208x128xf32, #tpu.memory_space<vmem>> -> memref<8x128xf32, #tpu.memory_space<vmem>>
      tpu.wait_dma2 semaphore(%arg8 : memref<!tpu.dma_semaphore, #tpu.memory_space<semaphore_mem>>) src(%dma_wait3A_331 : memref<8x128xf32, #tpu.memory_space<vmem>>) dst(%dma_wait3A_328 : memref<8x128xf32, #tpu.memory_space<hbm>>)
      %dma_wait3A_332 = arith.constant 16 : i32
      %dma_wait3A_333 = arith.constant 0 : i32
      %dma_wait3A_334 = tpu.memref_slice %arg6[%dma_wait3A_332, %dma_wait3A_333] : memref<208x128xf32, #tpu.memory_space<vmem>> -> memref<8x128xf32, #tpu.memory_space<vmem>>
      %dma_wait3A_335 = arith.constant 256 : i32
      %dma_wait3A_336 = tpu.memref_slice %arg4[%add3A_51, %dma_wait3A_335] : memref<4096x3328xf32, #tpu.memory_space<hbm>> -> memref<8x128xf32, #tpu.memory_space<hbm>>
      %dma_wait3A_337 = arith.constant 256 : i32
      %dma_wait3A_338 = tpu.memref_slice %arg4[%add3A_51, %dma_wait3A_337] : memref<4096x3328xf32, #tpu.memory_space<hbm>> -> memref<8x128xf32, #tpu.memory_space<hbm>>
      %dma_wait3A_339 = arith.constant 16 : i32
      %dma_wait3A_340 = arith.constant 0 : i32
      %dma_wait3A_341 = tpu.memref_slice %arg6[%dma_wait3A_339, %dma_wait3A_340] : memref<208x128xf32, #tpu.memory_space<vmem>> -> memref<8x128xf32, #tpu.memory_space<vmem>>
      tpu.wait_dma2 semaphore(%arg8 : memref<!tpu.dma_semaphore, #tpu.memory_space<semaphore_mem>>) src(%dma_wait3A_341 : memref<8x128xf32, #tpu.memory_space<vmem>>) dst(%dma_wait3A_338 : memref<8x128xf32, #tpu.memory_space<hbm>>)
      %dma_wait3A_342 = arith.constant 24 : i32
      %dma_wait3A_343 = arith.constant 0 : i32
      %dma_wait3A_344 = tpu.memref_slice %arg6[%dma_wait3A_342, %dma_wait3A_343] : memref<208x128xf32, #tpu.memory_space<vmem>> -> memref<8x128xf32, #tpu.memory_space<vmem>>
      %dma_wait3A_345 = arith.constant 384 : i32
      %dma_wait3A_346 = tpu.memref_slice %arg4[%add3A_51, %dma_wait3A_345] : memref<4096x3328xf32, #tpu.memory_space<hbm>> -> memref<8x128xf32, #tpu.memory_space<hbm>>
      %dma_wait3A_347 = arith.constant 384 : i32
      %dma_wait3A_348 = tpu.memref_slice %arg4[%add3A_51, %dma_wait3A_347] : memref<4096x3328xf32, #tpu.memory_space<hbm>> -> memref<8x128xf32, #tpu.memory_space<hbm>>
      %dma_wait3A_349 = arith.constant 24 : i32
      %dma_wait3A_350 = arith.constant 0 : i32
      %dma_wait3A_351 = tpu.memref_slice %arg6[%dma_wait3A_349, %dma_wait3A_350] : memref<208x128xf32, #tpu.memory_space<vmem>> -> memref<8x128xf32, #tpu.memory_space<vmem>>
      tpu.wait_dma2 semaphore(%arg8 : memref<!tpu.dma_semaphore, #tpu.memory_space<semaphore_mem>>) src(%dma_wait3A_351 : memref<8x128xf32, #tpu.memory_space<vmem>>) dst(%dma_wait3A_348 : memref<8x128xf32, #tpu.memory_space<hbm>>)
      %dma_wait3A_352 = arith.constant 32 : i32
      %dma_wait3A_353 = arith.constant 0 : i32
      %dma_wait3A_354 = tpu.memref_slice %arg6[%dma_wait3A_352, %dma_wait3A_353] : memref<208x128xf32, #tpu.memory_space<vmem>> -> memref<8x128xf32, #tpu.memory_space<vmem>>
      %dma_wait3A_355 = arith.constant 512 : i32
      %dma_wait3A_356 = tpu.memref_slice %arg4[%add3A_51, %dma_wait3A_355] : memref<4096x3328xf32, #tpu.memory_space<hbm>> -> memref<8x128xf32, #tpu.memory_space<hbm>>
      %dma_wait3A_357 = arith.constant 512 : i32
      %dma_wait3A_358 = tpu.memref_slice %arg4[%add3A_51, %dma_wait3A_357] : memref<4096x3328xf32, #tpu.memory_space<hbm>> -> memref<8x128xf32, #tpu.memory_space<hbm>>
      %dma_wait3A_359 = arith.constant 32 : i32
      %dma_wait3A_360 = arith.constant 0 : i32
      %dma_wait3A_361 = tpu.memref_slice %arg6[%dma_wait3A_359, %dma_wait3A_360] : memref<208x128xf32, #tpu.memory_space<vmem>> -> memref<8x128xf32, #tpu.memory_space<vmem>>
      tpu.wait_dma2 semaphore(%arg8 : memref<!tpu.dma_semaphore, #tpu.memory_space<semaphore_mem>>) src(%dma_wait3A_361 : memref<8x128xf32, #tpu.memory_space<vmem>>) dst(%dma_wait3A_358 : memref<8x128xf32, #tpu.memory_space<hbm>>)
      %dma_wait3A_362 = arith.constant 40 : i32
      %dma_wait3A_363 = arith.constant 0 : i32
      %dma_wait3A_364 = tpu.memref_slice %arg6[%dma_wait3A_362, %dma_wait3A_363] : memref<208x128xf32, #tpu.memory_space<vmem>> -> memref<8x128xf32, #tpu.memory_space<vmem>>
      %dma_wait3A_365 = arith.constant 640 : i32
      %dma_wait3A_366 = tpu.memref_slice %arg4[%add3A_51, %dma_wait3A_365] : memref<4096x3328xf32, #tpu.memory_space<hbm>> -> memref<8x128xf32, #tpu.memory_space<hbm>>
      %dma_wait3A_367 = arith.constant 640 : i32
      %dma_wait3A_368 = tpu.memref_slice %arg4[%add3A_51, %dma_wait3A_367] : memref<4096x3328xf32, #tpu.memory_space<hbm>> -> memref<8x128xf32, #tpu.memory_space<hbm>>
      %dma_wait3A_369 = arith.constant 40 : i32
      %dma_wait3A_370 = arith.constant 0 : i32
      %dma_wait3A_371 = tpu.memref_slice %arg6[%dma_wait3A_369, %dma_wait3A_370] : memref<208x128xf32, #tpu.memory_space<vmem>> -> memref<8x128xf32, #tpu.memory_space<vmem>>
      tpu.wait_dma2 semaphore(%arg8 : memref<!tpu.dma_semaphore, #tpu.memory_space<semaphore_mem>>) src(%dma_wait3A_371 : memref<8x128xf32, #tpu.memory_space<vmem>>) dst(%dma_wait3A_368 : memref<8x128xf32, #tpu.memory_space<hbm>>)
      %dma_wait3A_372 = arith.constant 48 : i32
      %dma_wait3A_373 = arith.constant 0 : i32
      %dma_wait3A_374 = tpu.memref_slice %arg6[%dma_wait3A_372, %dma_wait3A_373] : memref<208x128xf32, #tpu.memory_space<vmem>> -> memref<8x128xf32, #tpu.memory_space<vmem>>
      %dma_wait3A_375 = arith.constant 768 : i32
      %dma_wait3A_376 = tpu.memref_slice %arg4[%add3A_51, %dma_wait3A_375] : memref<4096x3328xf32, #tpu.memory_space<hbm>> -> memref<8x128xf32, #tpu.memory_space<hbm>>
      %dma_wait3A_377 = arith.constant 768 : i32
      %dma_wait3A_378 = tpu.memref_slice %arg4[%add3A_51, %dma_wait3A_377] : memref<4096x3328xf32, #tpu.memory_space<hbm>> -> memref<8x128xf32, #tpu.memory_space<hbm>>
      %dma_wait3A_379 = arith.constant 48 : i32
      %dma_wait3A_380 = arith.constant 0 : i32
      %dma_wait3A_381 = tpu.memref_slice %arg6[%dma_wait3A_379, %dma_wait3A_380] : memref<208x128xf32, #tpu.memory_space<vmem>> -> memref<8x128xf32, #tpu.memory_space<vmem>>
      tpu.wait_dma2 semaphore(%arg8 : memref<!tpu.dma_semaphore, #tpu.memory_space<semaphore_mem>>) src(%dma_wait3A_381 : memref<8x128xf32, #tpu.memory_space<vmem>>) dst(%dma_wait3A_378 : memref<8x128xf32, #tpu.memory_space<hbm>>)
      %dma_wait3A_382 = arith.constant 56 : i32
      %dma_wait3A_383 = arith.constant 0 : i32
      %dma_wait3A_384 = tpu.memref_slice %arg6[%dma_wait3A_382, %dma_wait3A_383] : memref<208x128xf32, #tpu.memory_space<vmem>> -> memref<8x128xf32, #tpu.memory_space<vmem>>
      %dma_wait3A_385 = arith.constant 896 : i32
      %dma_wait3A_386 = tpu.memref_slice %arg4[%add3A_51, %dma_wait3A_385] : memref<4096x3328xf32, #tpu.memory_space<hbm>> -> memref<8x128xf32, #tpu.memory_space<hbm>>
      %dma_wait3A_387 = arith.constant 896 : i32
      %dma_wait3A_388 = tpu.memref_slice %arg4[%add3A_51, %dma_wait3A_387] : memref<4096x3328xf32, #tpu.memory_space<hbm>> -> memref<8x128xf32, #tpu.memory_space<hbm>>
      %dma_wait3A_389 = arith.constant 56 : i32
      %dma_wait3A_390 = arith.constant 0 : i32
      %dma_wait3A_391 = tpu.memref_slice %arg6[%dma_wait3A_389, %dma_wait3A_390] : memref<208x128xf32, #tpu.memory_space<vmem>> -> memref<8x128xf32, #tpu.memory_space<vmem>>
      tpu.wait_dma2 semaphore(%arg8 : memref<!tpu.dma_semaphore, #tpu.memory_space<semaphore_mem>>) src(%dma_wait3A_391 : memref<8x128xf32, #tpu.memory_space<vmem>>) dst(%dma_wait3A_388 : memref<8x128xf32, #tpu.memory_space<hbm>>)
      %dma_wait3A_392 = arith.constant 64 : i32
      %dma_wait3A_393 = arith.constant 0 : i32
      %dma_wait3A_394 = tpu.memref_slice %arg6[%dma_wait3A_392, %dma_wait3A_393] : memref<208x128xf32, #tpu.memory_space<vmem>> -> memref<8x128xf32, #tpu.memory_space<vmem>>
      %dma_wait3A_395 = arith.constant 1024 : i32
      %dma_wait3A_396 = tpu.memref_slice %arg4[%add3A_51, %dma_wait3A_395] : memref<4096x3328xf32, #tpu.memory_space<hbm>> -> memref<8x128xf32, #tpu.memory_space<hbm>>
      %dma_wait3A_397 = arith.constant 1024 : i32
      %dma_wait3A_398 = tpu.memref_slice %arg4[%add3A_51, %dma_wait3A_397] : memref<4096x3328xf32, #tpu.memory_space<hbm>> -> memref<8x128xf32, #tpu.memory_space<hbm>>
      %dma_wait3A_399 = arith.constant 64 : i32
      %dma_wait3A_400 = arith.constant 0 : i32
      %dma_wait3A_401 = tpu.memref_slice %arg6[%dma_wait3A_399, %dma_wait3A_400] : memref<208x128xf32, #tpu.memory_space<vmem>> -> memref<8x128xf32, #tpu.memory_space<vmem>>
      tpu.wait_dma2 semaphore(%arg8 : memref<!tpu.dma_semaphore, #tpu.memory_space<semaphore_mem>>) src(%dma_wait3A_401 : memref<8x128xf32, #tpu.memory_space<vmem>>) dst(%dma_wait3A_398 : memref<8x128xf32, #tpu.memory_space<hbm>>)
      %dma_wait3A_402 = arith.constant 72 : i32
      %dma_wait3A_403 = arith.constant 0 : i32
      %dma_wait3A_404 = tpu.memref_slice %arg6[%dma_wait3A_402, %dma_wait3A_403] : memref<208x128xf32, #tpu.memory_space<vmem>> -> memref<8x128xf32, #tpu.memory_space<vmem>>
      %dma_wait3A_405 = arith.constant 1152 : i32
      %dma_wait3A_406 = tpu.memref_slice %arg4[%add3A_51, %dma_wait3A_405] : memref<4096x3328xf32, #tpu.memory_space<hbm>> -> memref<8x128xf32, #tpu.memory_space<hbm>>
      %dma_wait3A_407 = arith.constant 1152 : i32
      %dma_wait3A_408 = tpu.memref_slice %arg4[%add3A_51, %dma_wait3A_407] : memref<4096x3328xf32, #tpu.memory_space<hbm>> -> memref<8x128xf32, #tpu.memory_space<hbm>>
      %dma_wait3A_409 = arith.constant 72 : i32
      %dma_wait3A_410 = arith.constant 0 : i32
      %dma_wait3A_411 = tpu.memref_slice %arg6[%dma_wait3A_409, %dma_wait3A_410] : memref<208x128xf32, #tpu.memory_space<vmem>> -> memref<8x128xf32, #tpu.memory_space<vmem>>
      tpu.wait_dma2 semaphore(%arg8 : memref<!tpu.dma_semaphore, #tpu.memory_space<semaphore_mem>>) src(%dma_wait3A_411 : memref<8x128xf32, #tpu.memory_space<vmem>>) dst(%dma_wait3A_408 : memref<8x128xf32, #tpu.memory_space<hbm>>)
      %dma_wait3A_412 = arith.constant 80 : i32
      %dma_wait3A_413 = arith.constant 0 : i32
      %dma_wait3A_414 = tpu.memref_slice %arg6[%dma_wait3A_412, %dma_wait3A_413] : memref<208x128xf32, #tpu.memory_space<vmem>> -> memref<8x128xf32, #tpu.memory_space<vmem>>
      %dma_wait3A_415 = arith.constant 1280 : i32
      %dma_wait3A_416 = tpu.memref_slice %arg4[%add3A_51, %dma_wait3A_415] : memref<4096x3328xf32, #tpu.memory_space<hbm>> -> memref<8x128xf32, #tpu.memory_space<hbm>>
      %dma_wait3A_417 = arith.constant 1280 : i32
      %dma_wait3A_418 = tpu.memref_slice %arg4[%add3A_51, %dma_wait3A_417] : memref<4096x3328xf32, #tpu.memory_space<hbm>> -> memref<8x128xf32, #tpu.memory_space<hbm>>
      %dma_wait3A_419 = arith.constant 80 : i32
      %dma_wait3A_420 = arith.constant 0 : i32
      %dma_wait3A_421 = tpu.memref_slice %arg6[%dma_wait3A_419, %dma_wait3A_420] : memref<208x128xf32, #tpu.memory_space<vmem>> -> memref<8x128xf32, #tpu.memory_space<vmem>>
      tpu.wait_dma2 semaphore(%arg8 : memref<!tpu.dma_semaphore, #tpu.memory_space<semaphore_mem>>) src(%dma_wait3A_421 : memref<8x128xf32, #tpu.memory_space<vmem>>) dst(%dma_wait3A_418 : memref<8x128xf32, #tpu.memory_space<hbm>>)
      %dma_wait3A_422 = arith.constant 88 : i32
      %dma_wait3A_423 = arith.constant 0 : i32
      %dma_wait3A_424 = tpu.memref_slice %arg6[%dma_wait3A_422, %dma_wait3A_423] : memref<208x128xf32, #tpu.memory_space<vmem>> -> memref<8x128xf32, #tpu.memory_space<vmem>>
      %dma_wait3A_425 = arith.constant 1408 : i32
      %dma_wait3A_426 = tpu.memref_slice %arg4[%add3A_51, %dma_wait3A_425] : memref<4096x3328xf32, #tpu.memory_space<hbm>> -> memref<8x128xf32, #tpu.memory_space<hbm>>
      %dma_wait3A_427 = arith.constant 1408 : i32
      %dma_wait3A_428 = tpu.memref_slice %arg4[%add3A_51, %dma_wait3A_427] : memref<4096x3328xf32, #tpu.memory_space<hbm>> -> memref<8x128xf32, #tpu.memory_space<hbm>>
      %dma_wait3A_429 = arith.constant 88 : i32
      %dma_wait3A_430 = arith.constant 0 : i32
      %dma_wait3A_431 = tpu.memref_slice %arg6[%dma_wait3A_429, %dma_wait3A_430] : memref<208x128xf32, #tpu.memory_space<vmem>> -> memref<8x128xf32, #tpu.memory_space<vmem>>
      tpu.wait_dma2 semaphore(%arg8 : memref<!tpu.dma_semaphore, #tpu.memory_space<semaphore_mem>>) src(%dma_wait3A_431 : memref<8x128xf32, #tpu.memory_space<vmem>>) dst(%dma_wait3A_428 : memref<8x128xf32, #tpu.memory_space<hbm>>)
      %dma_wait3A_432 = arith.constant 96 : i32
      %dma_wait3A_433 = arith.constant 0 : i32
      %dma_wait3A_434 = tpu.memref_slice %arg6[%dma_wait3A_432, %dma_wait3A_433] : memref<208x128xf32, #tpu.memory_space<vmem>> -> memref<8x128xf32, #tpu.memory_space<vmem>>
      %dma_wait3A_435 = arith.constant 1536 : i32
      %dma_wait3A_436 = tpu.memref_slice %arg4[%add3A_51, %dma_wait3A_435] : memref<4096x3328xf32, #tpu.memory_space<hbm>> -> memref<8x128xf32, #tpu.memory_space<hbm>>
      %dma_wait3A_437 = arith.constant 1536 : i32
      %dma_wait3A_438 = tpu.memref_slice %arg4[%add3A_51, %dma_wait3A_437] : memref<4096x3328xf32, #tpu.memory_space<hbm>> -> memref<8x128xf32, #tpu.memory_space<hbm>>
      %dma_wait3A_439 = arith.constant 96 : i32
      %dma_wait3A_440 = arith.constant 0 : i32
      %dma_wait3A_441 = tpu.memref_slice %arg6[%dma_wait3A_439, %dma_wait3A_440] : memref<208x128xf32, #tpu.memory_space<vmem>> -> memref<8x128xf32, #tpu.memory_space<vmem>>
      tpu.wait_dma2 semaphore(%arg8 : memref<!tpu.dma_semaphore, #tpu.memory_space<semaphore_mem>>) src(%dma_wait3A_441 : memref<8x128xf32, #tpu.memory_space<vmem>>) dst(%dma_wait3A_438 : memref<8x128xf32, #tpu.memory_space<hbm>>)
      %dma_wait3A_442 = arith.constant 104 : i32
      %dma_wait3A_443 = arith.constant 0 : i32
      %dma_wait3A_444 = tpu.memref_slice %arg6[%dma_wait3A_442, %dma_wait3A_443] : memref<208x128xf32, #tpu.memory_space<vmem>> -> memref<8x128xf32, #tpu.memory_space<vmem>>
      %dma_wait3A_445 = arith.constant 1664 : i32
      %dma_wait3A_446 = tpu.memref_slice %arg4[%add3A_51, %dma_wait3A_445] : memref<4096x3328xf32, #tpu.memory_space<hbm>> -> memref<8x128xf32, #tpu.memory_space<hbm>>
      %dma_wait3A_447 = arith.constant 1664 : i32
      %dma_wait3A_448 = tpu.memref_slice %arg4[%add3A_51, %dma_wait3A_447] : memref<4096x3328xf32, #tpu.memory_space<hbm>> -> memref<8x128xf32, #tpu.memory_space<hbm>>
      %dma_wait3A_449 = arith.constant 104 : i32
      %dma_wait3A_450 = arith.constant 0 : i32
      %dma_wait3A_451 = tpu.memref_slice %arg6[%dma_wait3A_449, %dma_wait3A_450] : memref<208x128xf32, #tpu.memory_space<vmem>> -> memref<8x128xf32, #tpu.memory_space<vmem>>
      tpu.wait_dma2 semaphore(%arg8 : memref<!tpu.dma_semaphore, #tpu.memory_space<semaphore_mem>>) src(%dma_wait3A_451 : memref<8x128xf32, #tpu.memory_space<vmem>>) dst(%dma_wait3A_448 : memref<8x128xf32, #tpu.memory_space<hbm>>)
      %dma_wait3A_452 = arith.constant 112 : i32
      %dma_wait3A_453 = arith.constant 0 : i32
      %dma_wait3A_454 = tpu.memref_slice %arg6[%dma_wait3A_452, %dma_wait3A_453] : memref<208x128xf32, #tpu.memory_space<vmem>> -> memref<8x128xf32, #tpu.memory_space<vmem>>
      %dma_wait3A_455 = arith.constant 1792 : i32
      %dma_wait3A_456 = tpu.memref_slice %arg4[%add3A_51, %dma_wait3A_455] : memref<4096x3328xf32, #tpu.memory_space<hbm>> -> memref<8x128xf32, #tpu.memory_space<hbm>>
      %dma_wait3A_457 = arith.constant 1792 : i32
      %dma_wait3A_458 = tpu.memref_slice %arg4[%add3A_51, %dma_wait3A_457] : memref<4096x3328xf32, #tpu.memory_space<hbm>> -> memref<8x128xf32, #tpu.memory_space<hbm>>
      %dma_wait3A_459 = arith.constant 112 : i32
      %dma_wait3A_460 = arith.constant 0 : i32
      %dma_wait3A_461 = tpu.memref_slice %arg6[%dma_wait3A_459, %dma_wait3A_460] : memref<208x128xf32, #tpu.memory_space<vmem>> -> memref<8x128xf32, #tpu.memory_space<vmem>>
      tpu.wait_dma2 semaphore(%arg8 : memref<!tpu.dma_semaphore, #tpu.memory_space<semaphore_mem>>) src(%dma_wait3A_461 : memref<8x128xf32, #tpu.memory_space<vmem>>) dst(%dma_wait3A_458 : memref<8x128xf32, #tpu.memory_space<hbm>>)
      %dma_wait3A_462 = arith.constant 120 : i32
      %dma_wait3A_463 = arith.constant 0 : i32
      %dma_wait3A_464 = tpu.memref_slice %arg6[%dma_wait3A_462, %dma_wait3A_463] : memref<208x128xf32, #tpu.memory_space<vmem>> -> memref<8x128xf32, #tpu.memory_space<vmem>>
      %dma_wait3A_465 = arith.constant 1920 : i32
      %dma_wait3A_466 = tpu.memref_slice %arg4[%add3A_51, %dma_wait3A_465] : memref<4096x3328xf32, #tpu.memory_space<hbm>> -> memref<8x128xf32, #tpu.memory_space<hbm>>
      %dma_wait3A_467 = arith.constant 1920 : i32
      %dma_wait3A_468 = tpu.memref_slice %arg4[%add3A_51, %dma_wait3A_467] : memref<4096x3328xf32, #tpu.memory_space<hbm>> -> memref<8x128xf32, #tpu.memory_space<hbm>>
      %dma_wait3A_469 = arith.constant 120 : i32
      %dma_wait3A_470 = arith.constant 0 : i32
      %dma_wait3A_471 = tpu.memref_slice %arg6[%dma_wait3A_469, %dma_wait3A_470] : memref<208x128xf32, #tpu.memory_space<vmem>> -> memref<8x128xf32, #tpu.memory_space<vmem>>
      tpu.wait_dma2 semaphore(%arg8 : memref<!tpu.dma_semaphore, #tpu.memory_space<semaphore_mem>>) src(%dma_wait3A_471 : memref<8x128xf32, #tpu.memory_space<vmem>>) dst(%dma_wait3A_468 : memref<8x128xf32, #tpu.memory_space<hbm>>)
      %dma_wait3A_472 = arith.constant 128 : i32
      %dma_wait3A_473 = arith.constant 0 : i32
      %dma_wait3A_474 = tpu.memref_slice %arg6[%dma_wait3A_472, %dma_wait3A_473] : memref<208x128xf32, #tpu.memory_space<vmem>> -> memref<8x128xf32, #tpu.memory_space<vmem>>
      %dma_wait3A_475 = arith.constant 2048 : i32
      %dma_wait3A_476 = tpu.memref_slice %arg4[%add3A_51, %dma_wait3A_475] : memref<4096x3328xf32, #tpu.memory_space<hbm>> -> memref<8x128xf32, #tpu.memory_space<hbm>>
      %dma_wait3A_477 = arith.constant 2048 : i32
      %dma_wait3A_478 = tpu.memref_slice %arg4[%add3A_51, %dma_wait3A_477] : memref<4096x3328xf32, #tpu.memory_space<hbm>> -> memref<8x128xf32, #tpu.memory_space<hbm>>
      %dma_wait3A_479 = arith.constant 128 : i32
      %dma_wait3A_480 = arith.constant 0 : i32
      %dma_wait3A_481 = tpu.memref_slice %arg6[%dma_wait3A_479, %dma_wait3A_480] : memref<208x128xf32, #tpu.memory_space<vmem>> -> memref<8x128xf32, #tpu.memory_space<vmem>>
      tpu.wait_dma2 semaphore(%arg8 : memref<!tpu.dma_semaphore, #tpu.memory_space<semaphore_mem>>) src(%dma_wait3A_481 : memref<8x128xf32, #tpu.memory_space<vmem>>) dst(%dma_wait3A_478 : memref<8x128xf32, #tpu.memory_space<hbm>>)
      %dma_wait3A_482 = arith.constant 136 : i32
      %dma_wait3A_483 = arith.constant 0 : i32
      %dma_wait3A_484 = tpu.memref_slice %arg6[%dma_wait3A_482, %dma_wait3A_483] : memref<208x128xf32, #tpu.memory_space<vmem>> -> memref<8x128xf32, #tpu.memory_space<vmem>>
      %dma_wait3A_485 = arith.constant 2176 : i32
      %dma_wait3A_486 = tpu.memref_slice %arg4[%add3A_51, %dma_wait3A_485] : memref<4096x3328xf32, #tpu.memory_space<hbm>> -> memref<8x128xf32, #tpu.memory_space<hbm>>
      %dma_wait3A_487 = arith.constant 2176 : i32
      %dma_wait3A_488 = tpu.memref_slice %arg4[%add3A_51, %dma_wait3A_487] : memref<4096x3328xf32, #tpu.memory_space<hbm>> -> memref<8x128xf32, #tpu.memory_space<hbm>>
      %dma_wait3A_489 = arith.constant 136 : i32
      %dma_wait3A_490 = arith.constant 0 : i32
      %dma_wait3A_491 = tpu.memref_slice %arg6[%dma_wait3A_489, %dma_wait3A_490] : memref<208x128xf32, #tpu.memory_space<vmem>> -> memref<8x128xf32, #tpu.memory_space<vmem>>
      tpu.wait_dma2 semaphore(%arg8 : memref<!tpu.dma_semaphore, #tpu.memory_space<semaphore_mem>>) src(%dma_wait3A_491 : memref<8x128xf32, #tpu.memory_space<vmem>>) dst(%dma_wait3A_488 : memref<8x128xf32, #tpu.memory_space<hbm>>)
      %dma_wait3A_492 = arith.constant 144 : i32
      %dma_wait3A_493 = arith.constant 0 : i32
      %dma_wait3A_494 = tpu.memref_slice %arg6[%dma_wait3A_492, %dma_wait3A_493] : memref<208x128xf32, #tpu.memory_space<vmem>> -> memref<8x128xf32, #tpu.memory_space<vmem>>
      %dma_wait3A_495 = arith.constant 2304 : i32
      %dma_wait3A_496 = tpu.memref_slice %arg4[%add3A_51, %dma_wait3A_495] : memref<4096x3328xf32, #tpu.memory_space<hbm>> -> memref<8x128xf32, #tpu.memory_space<hbm>>
      %dma_wait3A_497 = arith.constant 2304 : i32
      %dma_wait3A_498 = tpu.memref_slice %arg4[%add3A_51, %dma_wait3A_497] : memref<4096x3328xf32, #tpu.memory_space<hbm>> -> memref<8x128xf32, #tpu.memory_space<hbm>>
      %dma_wait3A_499 = arith.constant 144 : i32
      %dma_wait3A_500 = arith.constant 0 : i32
      %dma_wait3A_501 = tpu.memref_slice %arg6[%dma_wait3A_499, %dma_wait3A_500] : memref<208x128xf32, #tpu.memory_space<vmem>> -> memref<8x128xf32, #tpu.memory_space<vmem>>
      tpu.wait_dma2 semaphore(%arg8 : memref<!tpu.dma_semaphore, #tpu.memory_space<semaphore_mem>>) src(%dma_wait3A_501 : memref<8x128xf32, #tpu.memory_space<vmem>>) dst(%dma_wait3A_498 : memref<8x128xf32, #tpu.memory_space<hbm>>)
      %dma_wait3A_502 = arith.constant 152 : i32
      %dma_wait3A_503 = arith.constant 0 : i32
      %dma_wait3A_504 = tpu.memref_slice %arg6[%dma_wait3A_502, %dma_wait3A_503] : memref<208x128xf32, #tpu.memory_space<vmem>> -> memref<8x128xf32, #tpu.memory_space<vmem>>
      %dma_wait3A_505 = arith.constant 2432 : i32
      %dma_wait3A_506 = tpu.memref_slice %arg4[%add3A_51, %dma_wait3A_505] : memref<4096x3328xf32, #tpu.memory_space<hbm>> -> memref<8x128xf32, #tpu.memory_space<hbm>>
      %dma_wait3A_507 = arith.constant 2432 : i32
      %dma_wait3A_508 = tpu.memref_slice %arg4[%add3A_51, %dma_wait3A_507] : memref<4096x3328xf32, #tpu.memory_space<hbm>> -> memref<8x128xf32, #tpu.memory_space<hbm>>
      %dma_wait3A_509 = arith.constant 152 : i32
      %dma_wait3A_510 = arith.constant 0 : i32
      %dma_wait3A_511 = tpu.memref_slice %arg6[%dma_wait3A_509, %dma_wait3A_510] : memref<208x128xf32, #tpu.memory_space<vmem>> -> memref<8x128xf32, #tpu.memory_space<vmem>>
      tpu.wait_dma2 semaphore(%arg8 : memref<!tpu.dma_semaphore, #tpu.memory_space<semaphore_mem>>) src(%dma_wait3A_511 : memref<8x128xf32, #tpu.memory_space<vmem>>) dst(%dma_wait3A_508 : memref<8x128xf32, #tpu.memory_space<hbm>>)
      %dma_wait3A_512 = arith.constant 160 : i32
      %dma_wait3A_513 = arith.constant 0 : i32
      %dma_wait3A_514 = tpu.memref_slice %arg6[%dma_wait3A_512, %dma_wait3A_513] : memref<208x128xf32, #tpu.memory_space<vmem>> -> memref<8x128xf32, #tpu.memory_space<vmem>>
      %dma_wait3A_515 = arith.constant 2560 : i32
      %dma_wait3A_516 = tpu.memref_slice %arg4[%add3A_51, %dma_wait3A_515] : memref<4096x3328xf32, #tpu.memory_space<hbm>> -> memref<8x128xf32, #tpu.memory_space<hbm>>
      %dma_wait3A_517 = arith.constant 2560 : i32
      %dma_wait3A_518 = tpu.memref_slice %arg4[%add3A_51, %dma_wait3A_517] : memref<4096x3328xf32, #tpu.memory_space<hbm>> -> memref<8x128xf32, #tpu.memory_space<hbm>>
      %dma_wait3A_519 = arith.constant 160 : i32
      %dma_wait3A_520 = arith.constant 0 : i32
      %dma_wait3A_521 = tpu.memref_slice %arg6[%dma_wait3A_519, %dma_wait3A_520] : memref<208x128xf32, #tpu.memory_space<vmem>> -> memref<8x128xf32, #tpu.memory_space<vmem>>
      tpu.wait_dma2 semaphore(%arg8 : memref<!tpu.dma_semaphore, #tpu.memory_space<semaphore_mem>>) src(%dma_wait3A_521 : memref<8x128xf32, #tpu.memory_space<vmem>>) dst(%dma_wait3A_518 : memref<8x128xf32, #tpu.memory_space<hbm>>)
      %dma_wait3A_522 = arith.constant 168 : i32
      %dma_wait3A_523 = arith.constant 0 : i32
      %dma_wait3A_524 = tpu.memref_slice %arg6[%dma_wait3A_522, %dma_wait3A_523] : memref<208x128xf32, #tpu.memory_space<vmem>> -> memref<8x128xf32, #tpu.memory_space<vmem>>
      %dma_wait3A_525 = arith.constant 2688 : i32
      %dma_wait3A_526 = tpu.memref_slice %arg4[%add3A_51, %dma_wait3A_525] : memref<4096x3328xf32, #tpu.memory_space<hbm>> -> memref<8x128xf32, #tpu.memory_space<hbm>>
      %dma_wait3A_527 = arith.constant 2688 : i32
      %dma_wait3A_528 = tpu.memref_slice %arg4[%add3A_51, %dma_wait3A_527] : memref<4096x3328xf32, #tpu.memory_space<hbm>> -> memref<8x128xf32, #tpu.memory_space<hbm>>
      %dma_wait3A_529 = arith.constant 168 : i32
      %dma_wait3A_530 = arith.constant 0 : i32
      %dma_wait3A_531 = tpu.memref_slice %arg6[%dma_wait3A_529, %dma_wait3A_530] : memref<208x128xf32, #tpu.memory_space<vmem>> -> memref<8x128xf32, #tpu.memory_space<vmem>>
      tpu.wait_dma2 semaphore(%arg8 : memref<!tpu.dma_semaphore, #tpu.memory_space<semaphore_mem>>) src(%dma_wait3A_531 : memref<8x128xf32, #tpu.memory_space<vmem>>) dst(%dma_wait3A_528 : memref<8x128xf32, #tpu.memory_space<hbm>>)
      %dma_wait3A_532 = arith.constant 176 : i32
      %dma_wait3A_533 = arith.constant 0 : i32
      %dma_wait3A_534 = tpu.memref_slice %arg6[%dma_wait3A_532, %dma_wait3A_533] : memref<208x128xf32, #tpu.memory_space<vmem>> -> memref<8x128xf32, #tpu.memory_space<vmem>>
      %dma_wait3A_535 = arith.constant 2816 : i32
      %dma_wait3A_536 = tpu.memref_slice %arg4[%add3A_51, %dma_wait3A_535] : memref<4096x3328xf32, #tpu.memory_space<hbm>> -> memref<8x128xf32, #tpu.memory_space<hbm>>
      %dma_wait3A_537 = arith.constant 2816 : i32
      %dma_wait3A_538 = tpu.memref_slice %arg4[%add3A_51, %dma_wait3A_537] : memref<4096x3328xf32, #tpu.memory_space<hbm>> -> memref<8x128xf32, #tpu.memory_space<hbm>>
      %dma_wait3A_539 = arith.constant 176 : i32
      %dma_wait3A_540 = arith.constant 0 : i32
      %dma_wait3A_541 = tpu.memref_slice %arg6[%dma_wait3A_539, %dma_wait3A_540] : memref<208x128xf32, #tpu.memory_space<vmem>> -> memref<8x128xf32, #tpu.memory_space<vmem>>
      tpu.wait_dma2 semaphore(%arg8 : memref<!tpu.dma_semaphore, #tpu.memory_space<semaphore_mem>>) src(%dma_wait3A_541 : memref<8x128xf32, #tpu.memory_space<vmem>>) dst(%dma_wait3A_538 : memref<8x128xf32, #tpu.memory_space<hbm>>)
      %dma_wait3A_542 = arith.constant 184 : i32
      %dma_wait3A_543 = arith.constant 0 : i32
      %dma_wait3A_544 = tpu.memref_slice %arg6[%dma_wait3A_542, %dma_wait3A_543] : memref<208x128xf32, #tpu.memory_space<vmem>> -> memref<8x128xf32, #tpu.memory_space<vmem>>
      %dma_wait3A_545 = arith.constant 2944 : i32
      %dma_wait3A_546 = tpu.memref_slice %arg4[%add3A_51, %dma_wait3A_545] : memref<4096x3328xf32, #tpu.memory_space<hbm>> -> memref<8x128xf32, #tpu.memory_space<hbm>>
      %dma_wait3A_547 = arith.constant 2944 : i32
      %dma_wait3A_548 = tpu.memref_slice %arg4[%add3A_51, %dma_wait3A_547] : memref<4096x3328xf32, #tpu.memory_space<hbm>> -> memref<8x128xf32, #tpu.memory_space<hbm>>
      %dma_wait3A_549 = arith.constant 184 : i32
      %dma_wait3A_550 = arith.constant 0 : i32
      %dma_wait3A_551 = tpu.memref_slice %arg6[%dma_wait3A_549, %dma_wait3A_550] : memref<208x128xf32, #tpu.memory_space<vmem>> -> memref<8x128xf32, #tpu.memory_space<vmem>>
      tpu.wait_dma2 semaphore(%arg8 : memref<!tpu.dma_semaphore, #tpu.memory_space<semaphore_mem>>) src(%dma_wait3A_551 : memref<8x128xf32, #tpu.memory_space<vmem>>) dst(%dma_wait3A_548 : memref<8x128xf32, #tpu.memory_space<hbm>>)
      %dma_wait3A_552 = arith.constant 192 : i32
      %dma_wait3A_553 = arith.constant 0 : i32
      %dma_wait3A_554 = tpu.memref_slice %arg6[%dma_wait3A_552, %dma_wait3A_553] : memref<208x128xf32, #tpu.memory_space<vmem>> -> memref<8x128xf32, #tpu.memory_space<vmem>>
      %dma_wait3A_555 = arith.constant 3072 : i32
      %dma_wait3A_556 = tpu.memref_slice %arg4[%add3A_51, %dma_wait3A_555] : memref<4096x3328xf32, #tpu.memory_space<hbm>> -> memref<8x128xf32, #tpu.memory_space<hbm>>
      %dma_wait3A_557 = arith.constant 3072 : i32
      %dma_wait3A_558 = tpu.memref_slice %arg4[%add3A_51, %dma_wait3A_557] : memref<4096x3328xf32, #tpu.memory_space<hbm>> -> memref<8x128xf32, #tpu.memory_space<hbm>>
      %dma_wait3A_559 = arith.constant 192 : i32
      %dma_wait3A_560 = arith.constant 0 : i32
      %dma_wait3A_561 = tpu.memref_slice %arg6[%dma_wait3A_559, %dma_wait3A_560] : memref<208x128xf32, #tpu.memory_space<vmem>> -> memref<8x128xf32, #tpu.memory_space<vmem>>
      tpu.wait_dma2 semaphore(%arg8 : memref<!tpu.dma_semaphore, #tpu.memory_space<semaphore_mem>>) src(%dma_wait3A_561 : memref<8x128xf32, #tpu.memory_space<vmem>>) dst(%dma_wait3A_558 : memref<8x128xf32, #tpu.memory_space<hbm>>)
      %dma_wait3A_562 = arith.constant 200 : i32
      %dma_wait3A_563 = arith.constant 0 : i32
      %dma_wait3A_564 = tpu.memref_slice %arg6[%dma_wait3A_562, %dma_wait3A_563] : memref<208x128xf32, #tpu.memory_space<vmem>> -> memref<8x128xf32, #tpu.memory_space<vmem>>
      %dma_wait3A_565 = arith.constant 3200 : i32
      %dma_wait3A_566 = tpu.memref_slice %arg4[%add3A_51, %dma_wait3A_565] : memref<4096x3328xf32, #tpu.memory_space<hbm>> -> memref<8x128xf32, #tpu.memory_space<hbm>>
      %dma_wait3A_567 = arith.constant 3200 : i32
      %dma_wait3A_568 = tpu.memref_slice %arg4[%add3A_51, %dma_wait3A_567] : memref<4096x3328xf32, #tpu.memory_space<hbm>> -> memref<8x128xf32, #tpu.memory_space<hbm>>
      %dma_wait3A_569 = arith.constant 200 : i32
      %dma_wait3A_570 = arith.constant 0 : i32
      %dma_wait3A_571 = tpu.memref_slice %arg6[%dma_wait3A_569, %dma_wait3A_570] : memref<208x128xf32, #tpu.memory_space<vmem>> -> memref<8x128xf32, #tpu.memory_space<vmem>>
      tpu.wait_dma2 semaphore(%arg8 : memref<!tpu.dma_semaphore, #tpu.memory_space<semaphore_mem>>) src(%dma_wait3A_571 : memref<8x128xf32, #tpu.memory_space<vmem>>) dst(%dma_wait3A_568 : memref<8x128xf32, #tpu.memory_space<hbm>>)
    }
    %scan3A_5 = arith.constant 16 : i32
    return
  }
}

module attributes {stable_mosaic.version = 14 : i64} {
  func.func @_tc_body(%arg0: i32, %arg1: memref<512x3328xf32, #tpu.memory_space<vmem>>, %arg2: memref<26x512xf32, #tpu.memory_space<vmem>>, %arg3: memref<1664x400xbf16, #tpu.memory_space<vmem>>, %arg4: memref<6x400xf32, #tpu.memory_space<vmem>>, %arg5: memref<400x400xbf16, #tpu.memory_space<vmem>>, %arg6: memref<1x400xf32, #tpu.memory_space<vmem>>, %arg7: memref<1x1xf32, #tpu.memory_space<vmem>>, %arg8: memref<512xf32, #tpu.memory_space<vmem>>) attributes {dimension_semantics = [#tpu.dimension_semantics<arbitrary>], iteration_bounds = array<i64: 8>, scalar_prefetch = 0 : i64, scratch_operands = 0 : i64, tpu.core_type = #tpu.core_type<tc>, window_params = [{transform_indices = @transform_0, window_bounds = array<i64: 512, 3328>}, {transform_indices = @transform_1, window_bounds = array<i64: 26, 512>}, {pipeline_mode = #tpu.pipeline_mode<synchronous>, transform_indices = @transform_2, window_bounds = array<i64: 1664, 400>}, {pipeline_mode = #tpu.pipeline_mode<synchronous>, transform_indices = @transform_3, window_bounds = array<i64: 6, 400>}, {pipeline_mode = #tpu.pipeline_mode<synchronous>, transform_indices = @transform_4, window_bounds = array<i64: 400, 400>}, {pipeline_mode = #tpu.pipeline_mode<synchronous>, transform_indices = @transform_5, window_bounds = array<i64: 1, 400>}, {pipeline_mode = #tpu.pipeline_mode<synchronous>, transform_indices = @transform_6, window_bounds = array<i64: 1, 1>}, {transform_indices = @transform_7, window_bounds = array<i64: 512>}]} {
    %get3A = arith.constant 0 : index
    %get3A_0 = arith.constant 0 : index
    %get3A_1 = vector.load %arg1[%get3A, %get3A_0] : memref<512x3328xf32, #tpu.memory_space<vmem>>, vector<512x64xf32>
    %mul3A = arith.mulf %get3A_1, %get3A_1 : vector<512x64xf32>
    %get3A_2 = arith.constant 0 : index
    %get3A_3 = arith.constant 128 : index
    %get3A_4 = vector.load %arg1[%get3A_2, %get3A_3] : memref<512x3328xf32, #tpu.memory_space<vmem>>, vector<512x64xf32>
    %add3A = arith.addf %get3A_1, %get3A_4 : vector<512x64xf32>
    %mul3A_5 = arith.mulf %get3A_4, %get3A_4 : vector<512x64xf32>
    %add3A_6 = arith.addf %mul3A, %mul3A_5 : vector<512x64xf32>
    %get3A_7 = arith.constant 0 : index
    %get3A_8 = arith.constant 256 : index
    %get3A_9 = vector.load %arg1[%get3A_7, %get3A_8] : memref<512x3328xf32, #tpu.memory_space<vmem>>, vector<512x64xf32>
    %add3A_10 = arith.addf %add3A, %get3A_9 : vector<512x64xf32>
    %mul3A_11 = arith.mulf %get3A_9, %get3A_9 : vector<512x64xf32>
    %add3A_12 = arith.addf %add3A_6, %mul3A_11 : vector<512x64xf32>
    %get3A_13 = arith.constant 0 : index
    %get3A_14 = arith.constant 384 : index
    %get3A_15 = vector.load %arg1[%get3A_13, %get3A_14] : memref<512x3328xf32, #tpu.memory_space<vmem>>, vector<512x64xf32>
    %add3A_16 = arith.addf %add3A_10, %get3A_15 : vector<512x64xf32>
    %mul3A_17 = arith.mulf %get3A_15, %get3A_15 : vector<512x64xf32>
    %add3A_18 = arith.addf %add3A_12, %mul3A_17 : vector<512x64xf32>
    %get3A_19 = arith.constant 0 : index
    %get3A_20 = arith.constant 512 : index
    %get3A_21 = vector.load %arg1[%get3A_19, %get3A_20] : memref<512x3328xf32, #tpu.memory_space<vmem>>, vector<512x64xf32>
    %add3A_22 = arith.addf %add3A_16, %get3A_21 : vector<512x64xf32>
    %mul3A_23 = arith.mulf %get3A_21, %get3A_21 : vector<512x64xf32>
    %add3A_24 = arith.addf %add3A_18, %mul3A_23 : vector<512x64xf32>
    %get3A_25 = arith.constant 0 : index
    %get3A_26 = arith.constant 640 : index
    %get3A_27 = vector.load %arg1[%get3A_25, %get3A_26] : memref<512x3328xf32, #tpu.memory_space<vmem>>, vector<512x64xf32>
    %add3A_28 = arith.addf %add3A_22, %get3A_27 : vector<512x64xf32>
    %mul3A_29 = arith.mulf %get3A_27, %get3A_27 : vector<512x64xf32>
    %add3A_30 = arith.addf %add3A_24, %mul3A_29 : vector<512x64xf32>
    %get3A_31 = arith.constant 0 : index
    %get3A_32 = arith.constant 768 : index
    %get3A_33 = vector.load %arg1[%get3A_31, %get3A_32] : memref<512x3328xf32, #tpu.memory_space<vmem>>, vector<512x64xf32>
    %add3A_34 = arith.addf %add3A_28, %get3A_33 : vector<512x64xf32>
    %mul3A_35 = arith.mulf %get3A_33, %get3A_33 : vector<512x64xf32>
    %add3A_36 = arith.addf %add3A_30, %mul3A_35 : vector<512x64xf32>
    %get3A_37 = arith.constant 0 : index
    %get3A_38 = arith.constant 896 : index
    %get3A_39 = vector.load %arg1[%get3A_37, %get3A_38] : memref<512x3328xf32, #tpu.memory_space<vmem>>, vector<512x64xf32>
    %add3A_40 = arith.addf %add3A_34, %get3A_39 : vector<512x64xf32>
    %mul3A_41 = arith.mulf %get3A_39, %get3A_39 : vector<512x64xf32>
    %add3A_42 = arith.addf %add3A_36, %mul3A_41 : vector<512x64xf32>
    %get3A_43 = arith.constant 0 : index
    %get3A_44 = arith.constant 1024 : index
    %get3A_45 = vector.load %arg1[%get3A_43, %get3A_44] : memref<512x3328xf32, #tpu.memory_space<vmem>>, vector<512x64xf32>
    %add3A_46 = arith.addf %add3A_40, %get3A_45 : vector<512x64xf32>
    %mul3A_47 = arith.mulf %get3A_45, %get3A_45 : vector<512x64xf32>
    %add3A_48 = arith.addf %add3A_42, %mul3A_47 : vector<512x64xf32>
    %get3A_49 = arith.constant 0 : index
    %get3A_50 = arith.constant 1152 : index
    %get3A_51 = vector.load %arg1[%get3A_49, %get3A_50] : memref<512x3328xf32, #tpu.memory_space<vmem>>, vector<512x64xf32>
    %add3A_52 = arith.addf %add3A_46, %get3A_51 : vector<512x64xf32>
    %mul3A_53 = arith.mulf %get3A_51, %get3A_51 : vector<512x64xf32>
    %add3A_54 = arith.addf %add3A_48, %mul3A_53 : vector<512x64xf32>
    %get3A_55 = arith.constant 0 : index
    %get3A_56 = arith.constant 1280 : index
    %get3A_57 = vector.load %arg1[%get3A_55, %get3A_56] : memref<512x3328xf32, #tpu.memory_space<vmem>>, vector<512x64xf32>
    %add3A_58 = arith.addf %add3A_52, %get3A_57 : vector<512x64xf32>
    %mul3A_59 = arith.mulf %get3A_57, %get3A_57 : vector<512x64xf32>
    %add3A_60 = arith.addf %add3A_54, %mul3A_59 : vector<512x64xf32>
    %get3A_61 = arith.constant 0 : index
    %get3A_62 = arith.constant 1408 : index
    %get3A_63 = vector.load %arg1[%get3A_61, %get3A_62] : memref<512x3328xf32, #tpu.memory_space<vmem>>, vector<512x64xf32>
    %add3A_64 = arith.addf %add3A_58, %get3A_63 : vector<512x64xf32>
    %mul3A_65 = arith.mulf %get3A_63, %get3A_63 : vector<512x64xf32>
    %add3A_66 = arith.addf %add3A_60, %mul3A_65 : vector<512x64xf32>
    %get3A_67 = arith.constant 0 : index
    %get3A_68 = arith.constant 1536 : index
    %get3A_69 = vector.load %arg1[%get3A_67, %get3A_68] : memref<512x3328xf32, #tpu.memory_space<vmem>>, vector<512x64xf32>
    %add3A_70 = arith.addf %add3A_64, %get3A_69 : vector<512x64xf32>
    %mul3A_71 = arith.mulf %get3A_69, %get3A_69 : vector<512x64xf32>
    %add3A_72 = arith.addf %add3A_66, %mul3A_71 : vector<512x64xf32>
    %get3A_73 = arith.constant 0 : index
    %get3A_74 = arith.constant 1664 : index
    %get3A_75 = vector.load %arg1[%get3A_73, %get3A_74] : memref<512x3328xf32, #tpu.memory_space<vmem>>, vector<512x64xf32>
    %add3A_76 = arith.addf %add3A_70, %get3A_75 : vector<512x64xf32>
    %mul3A_77 = arith.mulf %get3A_75, %get3A_75 : vector<512x64xf32>
    %add3A_78 = arith.addf %add3A_72, %mul3A_77 : vector<512x64xf32>
    %get3A_79 = arith.constant 0 : index
    %get3A_80 = arith.constant 1792 : index
    %get3A_81 = vector.load %arg1[%get3A_79, %get3A_80] : memref<512x3328xf32, #tpu.memory_space<vmem>>, vector<512x64xf32>
    %add3A_82 = arith.addf %add3A_76, %get3A_81 : vector<512x64xf32>
    %mul3A_83 = arith.mulf %get3A_81, %get3A_81 : vector<512x64xf32>
    %add3A_84 = arith.addf %add3A_78, %mul3A_83 : vector<512x64xf32>
    %get3A_85 = arith.constant 0 : index
    %get3A_86 = arith.constant 1920 : index
    %get3A_87 = vector.load %arg1[%get3A_85, %get3A_86] : memref<512x3328xf32, #tpu.memory_space<vmem>>, vector<512x64xf32>
    %add3A_88 = arith.addf %add3A_82, %get3A_87 : vector<512x64xf32>
    %mul3A_89 = arith.mulf %get3A_87, %get3A_87 : vector<512x64xf32>
    %add3A_90 = arith.addf %add3A_84, %mul3A_89 : vector<512x64xf32>
    %get3A_91 = arith.constant 0 : index
    %get3A_92 = arith.constant 2048 : index
    %get3A_93 = vector.load %arg1[%get3A_91, %get3A_92] : memref<512x3328xf32, #tpu.memory_space<vmem>>, vector<512x64xf32>
    %add3A_94 = arith.addf %add3A_88, %get3A_93 : vector<512x64xf32>
    %mul3A_95 = arith.mulf %get3A_93, %get3A_93 : vector<512x64xf32>
    %add3A_96 = arith.addf %add3A_90, %mul3A_95 : vector<512x64xf32>
    %get3A_97 = arith.constant 0 : index
    %get3A_98 = arith.constant 2176 : index
    %get3A_99 = vector.load %arg1[%get3A_97, %get3A_98] : memref<512x3328xf32, #tpu.memory_space<vmem>>, vector<512x64xf32>
    %add3A_100 = arith.addf %add3A_94, %get3A_99 : vector<512x64xf32>
    %mul3A_101 = arith.mulf %get3A_99, %get3A_99 : vector<512x64xf32>
    %add3A_102 = arith.addf %add3A_96, %mul3A_101 : vector<512x64xf32>
    %get3A_103 = arith.constant 0 : index
    %get3A_104 = arith.constant 2304 : index
    %get3A_105 = vector.load %arg1[%get3A_103, %get3A_104] : memref<512x3328xf32, #tpu.memory_space<vmem>>, vector<512x64xf32>
    %add3A_106 = arith.addf %add3A_100, %get3A_105 : vector<512x64xf32>
    %mul3A_107 = arith.mulf %get3A_105, %get3A_105 : vector<512x64xf32>
    %add3A_108 = arith.addf %add3A_102, %mul3A_107 : vector<512x64xf32>
    %get3A_109 = arith.constant 0 : index
    %get3A_110 = arith.constant 2432 : index
    %get3A_111 = vector.load %arg1[%get3A_109, %get3A_110] : memref<512x3328xf32, #tpu.memory_space<vmem>>, vector<512x64xf32>
    %add3A_112 = arith.addf %add3A_106, %get3A_111 : vector<512x64xf32>
    %mul3A_113 = arith.mulf %get3A_111, %get3A_111 : vector<512x64xf32>
    %add3A_114 = arith.addf %add3A_108, %mul3A_113 : vector<512x64xf32>
    %get3A_115 = arith.constant 0 : index
    %get3A_116 = arith.constant 2560 : index
    %get3A_117 = vector.load %arg1[%get3A_115, %get3A_116] : memref<512x3328xf32, #tpu.memory_space<vmem>>, vector<512x64xf32>
    %add3A_118 = arith.addf %add3A_112, %get3A_117 : vector<512x64xf32>
    %mul3A_119 = arith.mulf %get3A_117, %get3A_117 : vector<512x64xf32>
    %add3A_120 = arith.addf %add3A_114, %mul3A_119 : vector<512x64xf32>
    %get3A_121 = arith.constant 0 : index
    %get3A_122 = arith.constant 2688 : index
    %get3A_123 = vector.load %arg1[%get3A_121, %get3A_122] : memref<512x3328xf32, #tpu.memory_space<vmem>>, vector<512x64xf32>
    %add3A_124 = arith.addf %add3A_118, %get3A_123 : vector<512x64xf32>
    %mul3A_125 = arith.mulf %get3A_123, %get3A_123 : vector<512x64xf32>
    %add3A_126 = arith.addf %add3A_120, %mul3A_125 : vector<512x64xf32>
    %get3A_127 = arith.constant 0 : index
    %get3A_128 = arith.constant 2816 : index
    %get3A_129 = vector.load %arg1[%get3A_127, %get3A_128] : memref<512x3328xf32, #tpu.memory_space<vmem>>, vector<512x64xf32>
    %add3A_130 = arith.addf %add3A_124, %get3A_129 : vector<512x64xf32>
    %mul3A_131 = arith.mulf %get3A_129, %get3A_129 : vector<512x64xf32>
    %add3A_132 = arith.addf %add3A_126, %mul3A_131 : vector<512x64xf32>
    %get3A_133 = arith.constant 0 : index
    %get3A_134 = arith.constant 2944 : index
    %get3A_135 = vector.load %arg1[%get3A_133, %get3A_134] : memref<512x3328xf32, #tpu.memory_space<vmem>>, vector<512x64xf32>
    %add3A_136 = arith.addf %add3A_130, %get3A_135 : vector<512x64xf32>
    %mul3A_137 = arith.mulf %get3A_135, %get3A_135 : vector<512x64xf32>
    %add3A_138 = arith.addf %add3A_132, %mul3A_137 : vector<512x64xf32>
    %get3A_139 = arith.constant 0 : index
    %get3A_140 = arith.constant 3072 : index
    %get3A_141 = vector.load %arg1[%get3A_139, %get3A_140] : memref<512x3328xf32, #tpu.memory_space<vmem>>, vector<512x64xf32>
    %add3A_142 = arith.addf %add3A_136, %get3A_141 : vector<512x64xf32>
    %mul3A_143 = arith.mulf %get3A_141, %get3A_141 : vector<512x64xf32>
    %add3A_144 = arith.addf %add3A_138, %mul3A_143 : vector<512x64xf32>
    %get3A_145 = arith.constant 0 : index
    %get3A_146 = arith.constant 3200 : index
    %get3A_147 = vector.load %arg1[%get3A_145, %get3A_146] : memref<512x3328xf32, #tpu.memory_space<vmem>>, vector<512x64xf32>
    %add3A_148 = arith.addf %add3A_142, %get3A_147 : vector<512x64xf32>
    %mul3A_149 = arith.mulf %get3A_147, %get3A_147 : vector<512x64xf32>
    %add3A_150 = arith.addf %add3A_144, %mul3A_149 : vector<512x64xf32>
    %mul3A_151 = arith.mulf %add3A_148, %add3A_148 : vector<512x64xf32>
    %sub3A = arith.subf %mul3A_151, %add3A_150 : vector<512x64xf32>
    %reduce_sum3A = arith.constant dense<0.000000e+00> : vector<512xf32>
    %reduce_sum3A_152 = vector.multi_reduction <add>, %sub3A, %reduce_sum3A [1] : vector<512x64xf32> to vector<512xf32>
    %mul3A_153 = arith.constant 5.000000e-01 : f32
    %mul3A_154 = vector.broadcast %mul3A_153 : f32 to vector<512xf32>
    %mul3A_155 = arith.mulf %mul3A_154, %reduce_sum3A_152 : vector<512xf32>
    %get3A_156 = arith.constant 0 : index
    %get3A_157 = arith.constant 0 : index
    %get3A_158 = vector.load %arg2[%get3A_156, %get3A_157] : memref<26x512xf32, #tpu.memory_space<vmem>>, vector<26x512xf32>
    %reduce_sum3A_159 = arith.constant dense<0.000000e+00> : vector<512xf32>
    %reduce_sum3A_160 = vector.multi_reduction <add>, %get3A_158, %reduce_sum3A_159 [0] : vector<26x512xf32> to vector<512xf32>
    %concatenate3A = tpu.concatenate %get3A_1, %get3A_4, %get3A_9, %get3A_15, %get3A_21, %get3A_27, %get3A_33, %get3A_39, %get3A_45, %get3A_51, %get3A_57, %get3A_63, %get3A_69, %get3A_75, %get3A_81, %get3A_87, %get3A_93, %get3A_99, %get3A_105, %get3A_111, %get3A_117, %get3A_123, %get3A_129, %get3A_135, %get3A_141, %get3A_147 in 1 : vector<512x64xf32>, vector<512x64xf32>, vector<512x64xf32>, vector<512x64xf32>, vector<512x64xf32>, vector<512x64xf32>, vector<512x64xf32>, vector<512x64xf32>, vector<512x64xf32>, vector<512x64xf32>, vector<512x64xf32>, vector<512x64xf32>, vector<512x64xf32>, vector<512x64xf32>, vector<512x64xf32>, vector<512x64xf32>, vector<512x64xf32>, vector<512x64xf32>, vector<512x64xf32>, vector<512x64xf32>, vector<512x64xf32>, vector<512x64xf32>, vector<512x64xf32>, vector<512x64xf32>, vector<512x64xf32>, vector<512x64xf32> -> vector<512x1664xf32>
    %convert_element_type3A = arith.truncf %concatenate3A : vector<512x1664xf32> to vector<512x1664xbf16>
    %get3A_161 = arith.constant 1 : index
    %get3A_162 = arith.constant 0 : index
    %get3A_163 = vector.load %arg4[%get3A_161, %get3A_162] : memref<6x400xf32, #tpu.memory_space<vmem>>, vector<1x400xf32>
    %mul3A_164 = arith.constant 0.999994993 : f32
    %mul3A_165 = vector.broadcast %mul3A_164 : f32 to vector<1x400xf32>
    %mul3A_166 = arith.mulf %get3A_163, %mul3A_165 : vector<1x400xf32>
    %get3A_167 = arith.constant 0 : index
    %get3A_168 = arith.constant 0 : index
    %get3A_169 = vector.load %arg4[%get3A_167, %get3A_168] : memref<6x400xf32, #tpu.memory_space<vmem>>, vector<1x400xf32>
    %mul3A_170 = arith.mulf %get3A_169, %mul3A_166 : vector<1x400xf32>
    %get3A_171 = arith.constant 2 : index
    %get3A_172 = arith.constant 0 : index
    %get3A_173 = vector.load %arg4[%get3A_171, %get3A_172] : memref<6x400xf32, #tpu.memory_space<vmem>>, vector<1x400xf32>
    %add3A_174 = arith.addf %mul3A_170, %get3A_173 : vector<1x400xf32>
    %get3A_175 = arith.constant 0 : index
    %get3A_176 = arith.constant 0 : index
    %get3A_177 = vector.load %arg3[%get3A_175, %get3A_176] : memref<1664x400xbf16, #tpu.memory_space<vmem>>, vector<1664x400xbf16>
    %dot_general3A = arith.constant dense<0.000000e+00> : vector<512x400xf32>
    %dot_general3A_178 = tpu.matmul %convert_element_type3A, %get3A_177, %dot_general3A {dimension_numbers = #tpu.dot_dimension_numbers<[1], [0], [0], [1], [0, 0, 1, 1], [], []>, transpose_lhs_hint = false} : vector<512x1664xbf16>, vector<1664x400xbf16>, vector<512x400xf32> -> vector<512x400xf32>
    %mul3A_179 = vector.broadcast %mul3A_166 : vector<1x400xf32> to vector<512x400xf32>
    %mul3A_180 = arith.mulf %dot_general3A_178, %mul3A_179 : vector<512x400xf32>
    %add3A_181 = vector.broadcast %add3A_174 : vector<1x400xf32> to vector<512x400xf32>
    %add3A_182 = arith.addf %mul3A_180, %add3A_181 : vector<512x400xf32>
    %max3A = arith.constant 0.000000e+00 : f32
    %max3A_183 = vector.broadcast %max3A : f32 to vector<512x400xf32>
    %max3A_184 = arith.maximumf %add3A_182, %max3A_183 : vector<512x400xf32>
    %convert_element_type3A_185 = arith.truncf %max3A_184 : vector<512x400xf32> to vector<512x400xbf16>
    %get3A_186 = arith.constant 4 : index
    %get3A_187 = arith.constant 0 : index
    %get3A_188 = vector.load %arg4[%get3A_186, %get3A_187] : memref<6x400xf32, #tpu.memory_space<vmem>>, vector<1x400xf32>
    %mul3A_189 = arith.constant 0.999994993 : f32
    %mul3A_190 = vector.broadcast %mul3A_189 : f32 to vector<1x400xf32>
    %mul3A_191 = arith.mulf %get3A_188, %mul3A_190 : vector<1x400xf32>
    %get3A_192 = arith.constant 3 : index
    %get3A_193 = arith.constant 0 : index
    %get3A_194 = vector.load %arg4[%get3A_192, %get3A_193] : memref<6x400xf32, #tpu.memory_space<vmem>>, vector<1x400xf32>
    %mul3A_195 = arith.mulf %get3A_194, %mul3A_191 : vector<1x400xf32>
    %get3A_196 = arith.constant 5 : index
    %get3A_197 = arith.constant 0 : index
    %get3A_198 = vector.load %arg4[%get3A_196, %get3A_197] : memref<6x400xf32, #tpu.memory_space<vmem>>, vector<1x400xf32>
    %add3A_199 = arith.addf %mul3A_195, %get3A_198 : vector<1x400xf32>
    %get3A_200 = arith.constant 0 : index
    %get3A_201 = arith.constant 0 : index
    %get3A_202 = vector.load %arg5[%get3A_200, %get3A_201] : memref<400x400xbf16, #tpu.memory_space<vmem>>, vector<400x400xbf16>
    %dot_general3A_203 = arith.constant dense<0.000000e+00> : vector<512x400xf32>
    %dot_general3A_204 = tpu.matmul %convert_element_type3A_185, %get3A_202, %dot_general3A_203 {dimension_numbers = #tpu.dot_dimension_numbers<[1], [0], [0], [1], [0, 0, 1, 1], [], []>, transpose_lhs_hint = false} : vector<512x400xbf16>, vector<400x400xbf16>, vector<512x400xf32> -> vector<512x400xf32>
    %mul3A_205 = vector.broadcast %mul3A_191 : vector<1x400xf32> to vector<512x400xf32>
    %mul3A_206 = arith.mulf %dot_general3A_204, %mul3A_205 : vector<512x400xf32>
    %add3A_207 = vector.broadcast %add3A_199 : vector<1x400xf32> to vector<512x400xf32>
    %add3A_208 = arith.addf %mul3A_206, %add3A_207 : vector<512x400xf32>
    %max3A_209 = arith.constant 0.000000e+00 : f32
    %max3A_210 = vector.broadcast %max3A_209 : f32 to vector<512x400xf32>
    %max3A_211 = arith.maximumf %add3A_208, %max3A_210 : vector<512x400xf32>
    %get3A_212 = arith.constant 0 : index
    %get3A_213 = arith.constant 0 : index
    %get3A_214 = vector.load %arg6[%get3A_212, %get3A_213] : memref<1x400xf32, #tpu.memory_space<vmem>>, vector<1x400xf32>
    %mul3A_215 = vector.broadcast %get3A_214 : vector<1x400xf32> to vector<512x400xf32>
    %mul3A_216 = arith.mulf %max3A_211, %mul3A_215 : vector<512x400xf32>
    %reduce_sum3A_217 = arith.constant dense<0.000000e+00> : vector<512xf32>
    %reduce_sum3A_218 = vector.multi_reduction <add>, %mul3A_216, %reduce_sum3A_217 [1] : vector<512x400xf32> to vector<512xf32>
    %add3A_219 = arith.addf %reduce_sum3A_160, %mul3A_155 : vector<512xf32>
    %add3A_220 = arith.addf %add3A_219, %reduce_sum3A_218 : vector<512xf32>
    %get3A_221 = arith.constant 0 : index
    %get3A_222 = arith.constant 0 : index
    %get3A_223 = vector.load %arg7[%get3A_221, %get3A_222] : memref<1x1xf32, #tpu.memory_space<vmem>>, vector<1x1xf32>
    %get3A_224 = vector.extract %get3A_223[0, 0] : f32 from vector<1x1xf32>
    %add3A_225 = vector.broadcast %get3A_224 : f32 to vector<512xf32>
    %add3A_226 = arith.addf %add3A_220, %add3A_225 : vector<512xf32>
    %neg3A = arith.constant 0.000000e+00 : f32
    %neg3A_227 = vector.broadcast %neg3A : f32 to vector<512xf32>
    %neg3A_228 = arith.subf %neg3A_227, %add3A_226 : vector<512xf32>
    %exp3A = math.exp %neg3A_228 : vector<512xf32>
    %add3A_229 = arith.constant 1.000000e+00 : f32
    %add3A_230 = vector.broadcast %add3A_229 : f32 to vector<512xf32>
    %add3A_231 = arith.addf %add3A_230, %exp3A : vector<512xf32>
    %div3A = arith.constant 1.000000e+00 : f32
    %div3A_232 = vector.broadcast %div3A : f32 to vector<512xf32>
    %div3A_233 = arith.divf %div3A_232, %add3A_231 : vector<512xf32>
    %swap3A = arith.constant 0 : index
    %swap3A_234 = vector.load %arg8[%swap3A] : memref<512xf32, #tpu.memory_space<vmem>>, vector<512xf32>
    tpu.vector_store %arg8[%swap3A], %div3A_233 {strides = array<i32>} : memref<512xf32, #tpu.memory_space<vmem>>, vector<512xf32>,
    return
  }
  func.func @transform_0(%arg0: i32) -> (i32, i32) {
    %c0_i32 = arith.constant 0 : i32
    %c0_i32_0 = arith.constant 0 : i32
    return %arg0, %c0_i32 : i32, i32
  }
  func.func @transform_1(%arg0: i32) -> (i32, i32) {
    %c0_i32 = arith.constant 0 : i32
    %c0_i32_0 = arith.constant 0 : i32
    return %c0_i32, %arg0 : i32, i32
  }
  func.func @transform_2(%arg0: i32) -> (i32, i32) {
    %c0_i32 = arith.constant 0 : i32
    %c0_i32_0 = arith.constant 0 : i32
    %c0_i32_1 = arith.constant 0 : i32
    return %c0_i32, %c0_i32_0 : i32, i32
  }
  func.func @transform_3(%arg0: i32) -> (i32, i32) {
    %c0_i32 = arith.constant 0 : i32
    %c0_i32_0 = arith.constant 0 : i32
    %c0_i32_1 = arith.constant 0 : i32
    return %c0_i32, %c0_i32_0 : i32, i32
  }
  func.func @transform_4(%arg0: i32) -> (i32, i32) {
    %c0_i32 = arith.constant 0 : i32
    %c0_i32_0 = arith.constant 0 : i32
    %c0_i32_1 = arith.constant 0 : i32
    return %c0_i32, %c0_i32_0 : i32, i32
  }
  func.func @transform_5(%arg0: i32) -> (i32, i32) {
    %c0_i32 = arith.constant 0 : i32
    %c0_i32_0 = arith.constant 0 : i32
    %c0_i32_1 = arith.constant 0 : i32
    return %c0_i32, %c0_i32_0 : i32, i32
  }
  func.func @transform_6(%arg0: i32) -> (i32, i32) {
    %c0_i32 = arith.constant 0 : i32
    %c0_i32_0 = arith.constant 0 : i32
    %c0_i32_1 = arith.constant 0 : i32
    return %c0_i32, %c0_i32_0 : i32, i32
  }
  func.func @transform_7(%arg0: i32) -> i32 {
    %c0_i32 = arith.constant 0 : i32
    return %arg0 : i32
  }
}

</mosaic_0001>

<sc_bundles>
// kernel: kernel.5.cloned.1.call-start
scs
__scs_entry_jumppad:
0x0: {  	(pc) =	sbr.rel $0x88, $3  }
0x1: {  	(tag) =	ssettag $0x0;
	lr =	simm.s32 $0x1  }
0x2: {  	[smem:$0x3F93] =	sst lr;
	_ =	strace $0xD0000000  }
0x3: {  	_ = 	snop  }
0x4: {  	_ = 	snop  }
0x5: {  	_ = 	snop  }
0x6: {  	_ = 	snop  }
0x7: {  	_ = 	snop  }
__scs_overlays_trampoline_lowered:
0x8: {  	[smem:$0x3FA2] =	sst s0  }
0x9: {  	[smem:$0x3FA3] =	sst s1  }
0xa: {  	[smem:$0x3FA4] =	sst s2  }
0xb: {  	[smem:$0x3FA5] =	sst s3  }
0xc: {  	[smem:$0x3FA6] =	sst s4  }
0xd: {  	[smem:$0x3FA7] =	sst s5  }
0xe: {  	[smem:$0x3FA8] =	sst s6  }
0xf: {  	[smem:$0x3FA9] =	sst s7  }
0x10: {  	[smem:$0x3FAA] =	sst s8  }
0x11: {  	[smem:$0x3FAB] =	sst s9;
	s0 =	simm.s32 @!p0 $0x0  }
0x12: {  	s1 =	sld [smem:$0x3F91];
	s0 =	simm.s32 @p0 $0x1  }
0x13: {  	[smem:$0x3FAC] =	sst s0;
	s0 =	simm.s32 @!p1 $0x0  }
0x14: {  	s2 =	sld [smem:$0x3F90];
	s0 =	simm.s32 @p1 $0x1  }
0x15: {  	[smem:$0x3FAD] =	sst s0;
	s0 =	simm.s32 @!p2 $0x0  }
0x16: {  	s3 =	sld [smem:$0x3FDB];
	s0 =	simm.s32 @p2 $0x1  }
0x17: {  	s4 =	simm.s32 $0x1BF5;
	[smem:$0x3FAF] =	sst s0  }
0x18: {  	s0 =	sld [smem:$0x3F92];
	_ =	swait.ge [sflag:s4], $0x0  }
0x19: {  	s7 =	sld [smem:$0x3F93]  }
0x1a: {  	s8 =	sadd.s32 $0xFFFFE003, lr  }
0x1b: {  	s9 =	sadd.s32 $0xFFFFFEF7, lr;
	s5 =	simm.s32 $0xFFFFFFFF;
	p2 =	slt.u32 s8, $0xFFFFF086  }
0x1c: {  	p1 =	slt.u32 s9, $0xF7A;
	s5 =	simm.s32 @!p2 $0x0  }
0x1d: {  	s5 =	simm.s32 @p1 $0x1;
	p0 =	seq.s32 s7, s2  }
0x1e: {  	s7 =	smul.u32 @!p0 $0xF7A, s2;
	p2 =	seq.s32 @!p0 s5, $0x0  }
0x1f: {  	s9 =	smul.u32 $0xF7A, s1;
	s8 =	simm.s32 @!p0 $0x1BF5;
	p2 =	por !p2, p0  }
0x20: {  	[sflag:s8] =	ssyncset.s32 @!p0 $0xFFFFF086;
	s6 =	sadd.s32 @!p0 s3, s7;
	s7 =	simm.s32 @!p0 $0x108  }
0x21: {  	s3 =	sadd.s32 s3, s9;
	s6 =	sadd.s32 @!p0 $0x88, s6;
	s7 =	simm.s32 @p2 $0x1082  }
0x22: {  	[simem:s7], [sflag:s8] =	dma.local @!p0 [hbm:s6], $0xF7A  }
0x23: {  	s9 =	sor.u32 $0xD0000000, s2;
	s6 =	simm.s32 $0x108;
	_ =	swait.ge @!p0 [sflag:s8], $0x0  }
0x24: {  	s3 =	sadd.s32 $0x88, s3;
	s6 =	simm.s32 @!p1 $0x1082;
	[sflag:s4] =	ssyncset.s32 $0xFFFFF086  }
0x25: {  	[simem:s6], [sflag:s4] =	dma.local [hbm:s3], $0xF7A  }
0x26: {  	[smem:$0x3F93] =	sst s1;
	(tag) =	ssettag s2;
	_ =	strace s9  }
0x27: {  	s1 =	sld [smem:$0x3FA3]  }
0x28: {  	s2 =	sld [smem:$0x3FA4]  }
0x29: {  	s4 =	sld [smem:$0x3FA6]  }
0x2a: {  	p0 =	seq.s32 s5, $0x0;
	s5 =	sld [smem:$0x3FA7]  }
0x2b: {  	s6 =	sld [smem:$0x3FA8]  }
0x2c: {  	s7 =	sld [smem:$0x3FA9]  }
0x2d: {  	s3 =	simm.s32 $0x108;
	s8 =	sld [smem:$0x3FAA]  }
0x2e: {  	s3 =	simm.s32 @!p0 $0x1082;
	s9 =	sld [smem:$0x3FAB]  }
0x2f: {  	lr =	sadd.s32 s0, s3;
	s0 =	sld [smem:$0x3FA2]  }
0x30: {  	s3 =	sld [smem:$0x3FA5]  }
0x31: {  	[smem:$0x3FAE] =	sst s10  }
0x32: {  	s10 =	sld [smem:$0x3FAC];
	_ =	sdelay $0x3  }
0x33: {  	p0 =	seq.s32 s10, $0x1;
	s10 =	sld [smem:$0x3FAE];
	_ =	sdelay $0x3  }
0x34: {  	[smem:$0x3FAE] =	sst s10  }
0x35: {  	s10 =	sld [smem:$0x3FAD];
	_ =	sdelay $0x3  }
0x36: {  	p1 =	seq.s32 s10, $0x1;
	s10 =	sld [smem:$0x3FAE];
	_ =	sdelay $0x3  }
0x37: {  	[smem:$0x3FAE] =	sst s10  }
0x38: {  	s10 =	sld [smem:$0x3FAF]  }
0x39: {  	_ = 	snop;
	(pc) =	sbr.ind lr, $3  }
0x3a: {  	_ = 	snop  }
0x3b: {  	_ = 	snop  }
0x3c: {  	p2 =	seq.s32 s10, $0x1;
	s10 =	sld [smem:$0x3FAE]  }
0x3d: {  	_ =	shalt  }
0x3e: {  	_ =	shalt  }
0x3f: {  	_ =	shalt  }
0x40: {  	_ =	shalt  }
0x41: {  	_ =	shalt  }
0x42: {  	_ =	shalt  }
0x43: {  	_ =	shalt  }
0x44: {  	_ =	shalt  }
0x45: {  	_ =	shalt  }
0x46: {  	_ =	shalt  }
0x47: {  	_ =	shalt  }
0x48: {  	_ =	shalt  }
0x49: {  	_ =	shalt  }
0x4a: {  	_ =	shalt  }
0x4b: {  	_ =	shalt  }
0x4c: {  	_ =	shalt  }
0x4d: {  	_ =	shalt  }
0x4e: {  	_ =	shalt  }
0x4f: {  	_ =	shalt  }
0x50: {  	_ =	shalt  }
0x51: {  	_ =	shalt  }
0x52: {  	_ =	shalt  }
0x53: {  	_ =	shalt  }
0x54: {  	_ =	shalt  }
0x55: {  	_ =	shalt  }
0x56: {  	_ =	shalt  }
0x57: {  	_ =	shalt  }
0x58: {  	_ =	shalt  }
0x59: {  	_ =	shalt  }
0x5a: {  	_ =	shalt  }
0x5b: {  	_ =	shalt  }
0x5c: {  	_ =	shalt  }
0x5d: {  	_ =	shalt  }
0x5e: {  	_ =	shalt  }
0x5f: {  	_ =	shalt  }
0x60: {  	_ =	shalt  }
0x61: {  	_ =	shalt  }
0x62: {  	_ =	shalt  }
0x63: {  	_ =	shalt  }
0x64: {  	_ =	shalt  }
0x65: {  	_ =	shalt  }
0x66: {  	_ =	shalt  }
0x67: {  	_ =	shalt  }
0x68: {  	_ =	shalt  }
0x69: {  	_ =	shalt  }
0x6a: {  	_ =	shalt  }
0x6b: {  	_ =	shalt  }
0x6c: {  	_ =	shalt  }
0x6d: {  	_ =	shalt  }
0x6e: {  	_ =	shalt  }
0x6f: {  	_ =	shalt  }
0x70: {  	_ =	shalt  }
0x71: {  	_ =	shalt  }
0x72: {  	_ =	shalt  }
0x73: {  	_ =	shalt  }
0x74: {  	_ =	shalt  }
0x75: {  	_ =	shalt  }
0x76: {  	_ =	shalt  }
0x77: {  	_ =	shalt  }
0x78: {  	_ =	shalt  }
0x79: {  	_ =	shalt  }
0x7a: {  	_ =	shalt  }
0x7b: {  	_ =	shalt  }
0x7c: {  	_ =	shalt  }
0x7d: {  	_ =	shalt  }
0x7e: {  	_ =	shalt  }
0x7f: {  	_ =	shalt  }
0x80: {  	_ =	shalt  }
0x81: {  	_ =	shalt  }
0x82: {  	_ =	shalt  }
0x83: {  	_ =	shalt  }
0x84: {  	_ =	shalt  }
0x85: {  	_ =	shalt  }
0x86: {  	_ =	shalt  }
0x87: {  	_ =	shalt  }
.Lfunc_end0:
.L_simem_size_0:
called_computation_lowered:
.L_overlay_start_0:
0x88: {  	s2 =	sld [smem:$0x3FD9]  }
0x89: {  	s3 =	sld [smem:$0x3FFE];
	_ =	sdelay $0x1  }
0x8a: {  	s1 =	srdreg.scid  }
0x8b: {  	s0 =	sand.u32 $0x1, s1  }
0x8c: {  	s16 =	sshll.u32 s0, $0xA;
	s2 =	sadd.s32 s3, s2  }
0x8d: {  	s2 =	sadd.s32 s2, s16  }
0x8e: {  	[smem:$0x3FBA] =	sst s2  }
0x8f: {  	_ = 	snop  }
0x90: {  	(tm) =	ssettm $0x1  }
0x91: {  	s17 =	sld [smem:$0x3FFB];
	_ =	sdelay $0x3  }
0x92: {  	_ =	strace s17  }
0x93: {  	s2 =	sld [smem:$0x3FFC];
	_ =	sdelay $0x3  }
0x94: {  	_ =	strace s2  }
0x95: {  	s2 =	sld [smem:$0x3FFD];
	_ =	sdelay $0x3  }
0x96: {  	_ =	strace s2  }
0x97: {  	_ =	strace $0x8FFFFFFF  }
0x98: {  	s18 =	sld [smem:$0x3FDB];
	_ =	sdelay $0x1  }
0x99: {  	s19 =	simm.s32 $_scs_section_size  }
0x9a: {  	s4 =	simm.s32 $_size__tile_overlayer_lowered;
	s5 =	simm.s32 $_tile_overlayer_lowered  }
0x9b: {  	s22 =	simm.s32 $0x1BFF;
	s21 =	sshll.u32 s5, $0x1;
	s2 =	sadd.s32 s19, s18  }
0x9c: {  	s6 =	simm.s32 $0x0;
	s20 =	sshll.u32 s4, $0x1;
	s4 =	sadd.s32 s21, s2  }
0x9d: {  	[timem:s6], [sflag:s22] =	dma.local [hbm:s4], s20  }
0x9e: {  	_ =	swait.ge [sflag:s22], s20  }
0x9f: {  	s3 =	ssub.s32 $0x0, s20;
	[sflag:s22] =	ssyncset.done $0x0  }
0xa0: {  	[sflag:s22] =	ssyncadd.s32 s3;
	_ =	sdelay $0x1  }
0xa1: {  	s23 =	simm.s32 $0x1B8B  }
0xa2: {  	_ =	swait.ge [sflag:s23], $0x1  }
0xa3: {  	[sflag:s23] =	ssyncset.done $0x0  }
0xa4: {  	s25 =	simm.s32 $0x1B8E;
	s24 =	sld [smem:$0x3FFE];
	[sflag:s23] =	ssyncadd.s32 $0xFFFFFFFF  }
0xa5: {  	s26 =	simm.s32 $execute0_lowered;
	[smem:$0x3FD2] =	sst s25  }
0xa6: {  	s4 =	sshll.u32 s26, $0x1;
	_ =	strace $0x80000046;
	[dreg:$0x1] =	wrdreg $0xFFFFFFFF  }
0xa7: {  	s28 =	simm.s32 $_size_execute0_lowered;
	s2 =	sadd.s32 s2, s4;
	[dreg:$0x0] =	wrdreg $0x0  }
0xa8: {  	s4 =	sshll.u32 s28, $0x1;
	[dreg:$0x2] =	wrdreg s2  }
0xa9: {  	[dreg:$0x3] =	wrdreg s4  }
0xaa: {  	[dreg:$0x4] =	wrdreg $0xC0  }
0xab: {  	_ =	task [dreg:s6], $0x5FFFF  }
0xac: {  	[dreg:$0x1] =	wrdreg $0xFFFFFFFF  }
0xad: {  	[dreg:$0x0] =	wrdreg $0x60  }
0xae: {  	[dreg:$0x2] =	wrdreg s24  }
0xaf: {  	[dreg:$0x3] =	wrdreg $0x9  }
0xb0: {  	_ =	task.clear_ibuf [dreg:s6], $0x4FFFF;
	_ =	strace $0x90000046  }
0xb1: {  	s29 =	simm.s32 $0x9;
	_ =	strace $0x80000048  }
0xb2: {  	_ =	swait.ge [sflag:s29], $0x1  }
0xb3: {  	[sflag:s29] =	ssyncadd.s32 $0xFFFFFFFF  }
0xb4: {  	_ =	strace $0x90000048  }
0xb5: {  	_ =	sfence  }
0xb6: {  	s30 =	sld [smem:$0x0];
	_ =	sdelay $0x2  }
0xb7: {  	s31 =	sshll.u32 s1, $0xD;
	s1 =	sshrl.u32 s1, $0x2  }
0xb8: {  	s3 =	sand.u32 $0x4000, s31;
	s1 =	sadd.s32 s1, s30  }
0xb9: {  	s0 =	sor.u32 s3, s0;
	s1 =	sshll.u32 s1, $0x11  }
0xba: {  	s0 =	sor.u32 s1, s0  }
0xbb: {  	s0 =	sadd.s32 $0x8F2B, s0  }
0xbc: {  	[sflag:s0] =	ssyncadd.remote.s32 $0x1  }
0xbd: {  	_ =	sfence.sel $0xFFFF  }
0xbe: {  	[dreg:$0x0] =	wrdreg $0xFFFFFFFF;
	(pc) =	sbr.abs _section_cstart, $3  }
0xbf: {  	[dreg:$0x1] =	wrdreg $0xFFFFFFFF  }
0xc0: {  	_ =	task.clear_ibuf [dreg:s6], $0x2FFFF;
	_ =	strace $0x9FFFFFFF  }
0xc1: {  	(tm) =	ssettm $0x7FFFFFFF  }
tec
execute0_lowered:
.L_overlay_start_1:
0x0: {  	(tag) =	ssettag $0x1  }
0x1: {  	s1 =	srdreg.scid;
	s0 =	stileid.u32  }
0x2: {  	s4 =	sand.u32 $0x1, s1;
	s21 =	smul.u32 $0xD0000, s0  }
0x3: {  	s5 =	smul.u32 $0x68000, s4  }
0x4: {  	s3 =	rddreg [dreg:$0x0];
	s2 =	simm.s32 $0x0  }
0x5: {  	[smem:$0x7FF] =	sst s2;
	s6 =	sadd.s32 s5, s21  }
0x6: {  	_ =	strace $0x80000047;
	s5 =	sadd.s32 $0x1E00, s3;
	s1 =	sshrl.u32 s6, $0x3  }
0x7: {  	s7 =	sor.u32 $0x800, s6;
	s23 =	sor.u32 $0xC00, s6;
	s8 =	sor.u32 $0x1000, s6  }
0x8: {  	s28 =	sor.u32 $0x1400, s6;
	s30 =	sor.u32 $0x1800, s6;
	s31 =	sor.u32 $0x1C00, s6  }
0x9: {  	s11 =	sor.u32 $0x2000, s6;
	s13 =	sor.u32 $0x2400, s6;
	s14 =	sor.u32 $0x2800, s6  }
0xa: {  	s18 =	sor.u32 $0x2C00, s6;
	s20 =	sor.u32 $0x3000, s6;
	s21 =	sor.u32 $0x3400, s6  }
0xb: {  	s1 =	sadd.s32 s1, s5;
	s22 =	sshrl.u32 s7, $0x3;
	s7 =	sshrl.u32 s23, $0x3  }
0xc: {  	s25 =	sshrl.u32 s8, $0x3;
	s29 =	sshrl.u32 s28, $0x3;
	s9 =	sshrl.u32 s31, $0x3  }
0xd: {  	s12 =	sshrl.u32 s11, $0x3;
	[dreg:$0x2] =	wrdreg s1;
	s1 =	sadd.s32 s22, s5  }
0xe: {  	s16 =	sshrl.u32 s14, $0x3;
	s24 =	sadd.s32 s7, s5;
	[dreg:$0x3] =	wrdreg s1  }
0xf: {  	s23 =	sshrl.u32 s21, $0x3;
	s26 =	sadd.s32 s25, s5;
	[dreg:$0x4] =	wrdreg s24  }
0x10: {  	s7 =	sshrl.u32 s30, $0x3;
	s10 =	sadd.s32 s9, s5;
	[dreg:$0x5] =	wrdreg s26  }
0x11: {  	s17 =	sadd.s32 s16, s5;
	s9 =	sor.u32 $0x4400, s6;
	[dreg:$0x8] =	wrdreg s10  }
0x12: {  	s16 =	sor.u32 $0x5000, s6;
	s1 =	sadd.s32 s29, s5;
	[dreg:$0xb] =	wrdreg s17  }
0x13: {  	s7 =	sadd.s32 s7, s5;
	s24 =	sadd.s32 s23, s5;
	[dreg:$0x6] =	wrdreg s1  }
0x14: {  	s29 =	sor.u32 $0x4000, s6;
	s10 =	sshrl.u32 s9, $0x3;
	[dreg:$0x7] =	wrdreg s7  }
0x15: {  	s17 =	sshrl.u32 s16, $0x3;
	s9 =	simm.s32 $0x3000;
	[dreg:$0xe] =	wrdreg s24  }
0x16: {  	s23 =	sor.u32 $0x5C00, s6;
	s16 =	simm.s32 $0x4800;
	[smem:$0x7EB] =	sst s9  }
0x17: {  	s1 =	sadd.s32 s12, s5;
	s7 =	sshrl.u32 s13, $0x3;
	[smem:$0x7F0] =	sst s16  }
0x18: {  	s31 =	sshrl.u32 s29, $0x3;
	s29 =	simm.s32 $0x1400;
	[dreg:$0x9] =	wrdreg s1  }
0x19: {  	s24 =	sshrl.u32 s23, $0x3;
	s23 =	simm.s32 $0x5C00;
	[dreg:$0x1b] =	wrdreg s29  }
0x1a: {  	s19 =	sshrl.u32 s18, $0x3;
	s15 =	sadd.s32 s7, s5;
	[smem:$0x7F7] =	sst s23  }
0x1b: {  	s28 =	sor.u32 $0x3C00, s6;
	s1 =	sadd.s32 s19, s5;
	[dreg:$0xa] =	wrdreg s15  }
0x1c: {  	s25 =	sor.u32 $0x3800, s6;
	s8 =	sadd.s32 s31, s5;
	[dreg:$0xc] =	wrdreg s1  }
0x1d: {  	s12 =	sor.u32 $0x4C00, s6;
	s31 =	simm.s32 $0x1C00;
	[dreg:$0x11] =	wrdreg s8  }
0x1e: {  	s14 =	sshrl.u32 s12, $0x3;
	s12 =	simm.s32 $0x3800;
	[dreg:$0x1d] =	wrdreg s31  }
0x1f: {  	s7 =	sshrl.u32 s20, $0x3;
	s29 =	simm.s32 $0x6C00;
	[smem:$0x7ED] =	sst s12  }
0x20: {  	s26 =	sshrl.u32 s25, $0x3;
	s22 =	sadd.s32 s7, s5;
	[smem:$0x7FB] =	sst s29  }
0x21: {  	s11 =	sor.u32 $0x4800, s6;
	s1 =	sadd.s32 s26, s5;
	[dreg:$0xd] =	wrdreg s22  }
0x22: {  	s18 =	sor.u32 $0x5400, s6;
	s15 =	sadd.s32 s14, s5;
	[dreg:$0xf] =	wrdreg s1  }
0x23: {  	s25 =	sor.u32 $0x6000, s6;
	s8 =	simm.s32 $0x2C00;
	[dreg:$0x14] =	wrdreg s15  }
0x24: {  	s19 =	sor.u32 $0x5800, s6;
	s14 =	simm.s32 $0x3C00;
	[smem:$0x7EA] =	sst s8  }
0x25: {  	s7 =	sshrl.u32 s28, $0x3;
	s31 =	simm.s32 $0x7400;
	[smem:$0x7EE] =	sst s14  }
0x26: {  	s6 =	sor.u32 $0x6400, s6;
	s30 =	sadd.s32 s7, s5;
	[smem:$0x7FD] =	sst s31  }
0x27: {  	s21 =	sshrl.u32 s19, $0x3;
	s1 =	sadd.s32 s10, s5;
	[dreg:$0x10] =	wrdreg s30  }
0x28: {  	s6 =	sshrl.u32 s6, $0x3;
	s22 =	sadd.s32 s21, s5;
	[dreg:$0x12] =	wrdreg s1  }
0x29: {  	s28 =	sadd.s32 s6, s5;
	[dreg:$0x17] =	wrdreg s22  }
0x2a: {  	s6 =	simm.s32 $0x2400;
	[dreg:$0x1a] =	wrdreg s28  }
0x2b: {  	s10 =	simm.s32 $0x3400;
	[dreg:$0x1f] =	wrdreg s6  }
0x2c: {  	s15 =	simm.s32 $0x4000;
	[smem:$0x7EC] =	sst s10  }
0x2d: {  	s7 =	sshrl.u32 s11, $0x3;
	s21 =	simm.s32 $0x5800;
	[smem:$0x7EF] =	sst s15  }
0x2e: {  	s13 =	sadd.s32 s7, s5;
	[smem:$0x7F5] =	sst s21  }
0x2f: {  	s1 =	sadd.s32 s17, s5;
	[dreg:$0x13] =	wrdreg s13  }
0x30: {  	s30 =	simm.s32 $0x1800;
	[dreg:$0x15] =	wrdreg s1  }
0x31: {  	s17 =	simm.s32 $0x4C00;
	[dreg:$0x1c] =	wrdreg s30  }
0x32: {  	s7 =	sshrl.u32 s18, $0x3;
	s18 =	simm.s32 $0x5000;
	[smem:$0x7F1] =	sst s17  }
0x33: {  	s28 =	simm.s32 $0x6800;
	[smem:$0x7F2] =	sst s18  }
0x34: {  	s20 =	sadd.s32 s7, s5;
	[smem:$0x7FA] =	sst s28  }
0x35: {  	s11 =	sshll.u32 s0, $0xA;
	s1 =	sadd.s32 s24, s5;
	[dreg:$0x16] =	wrdreg s20  }
0x36: {  	s7 =	sshrl.u32 s25, $0x3;
	s25 =	simm.s32 $0x6000;
	[dreg:$0x18] =	wrdreg s1  }
0x37: {  	s0 =	sadd.s32 $0x27B2200, s3;
	s30 =	simm.s32 $0x7000;
	[smem:$0x7F8] =	sst s25  }
0x38: {  	s10 =	simm.s32 $0x1000;
	s26 =	sadd.s32 s7, s5;
	[smem:$0x7FC] =	sst s30  }
0x39: {  	s13 =	sshll.u32 s4, $0x9;
	s5 =	simm.s32 $0x2000;
	[dreg:$0x19] =	wrdreg s26  }
0x3a: {  	s4 =	ssub.s32 $0x2, s4;
	s7 =	simm.s32 $0x2800;
	[dreg:$0x1e] =	wrdreg s5  }
0x3b: {  	s19 =	sshrl.u32 s4, $0x1;
	s20 =	simm.s32 $0x5400;
	[smem:$0x7E9] =	sst s7  }
0x3c: {  	s5 =	sor.u32 s13, s11;
	s6 =	ssub.s32 s4, s19;
	[smem:$0x7F3] =	sst s20  }
0x3d: {  	s26 =	simm.s32 $0x6400;
	s4 =	simm.s32 $0x4400;
	s11 =	simm.s32 $0x2  }
0x3e: {  	s5 =	sadd.s32 s5, s3;
	s24 =	smax.u32 s6, $0x1;
	[smem:$0x7F9] =	sst s26  }
0x3f: {  	s3 =	simm.s32 $0x68;
	s22 =	sadd.s32 $0x27AE200, s5;
	[smem:$0x7F6] =	sst s24  }
0x40: {  	s6 =	simm.s32 $0x0;
	s5 =	simm.s32 $0x1;
	[smem:$0x7F4] =	sst s22  }
.LBB2_1:
0x41: {  	s1 =	sld [smem:$0x7F4];
	_ =	sdelay $0x1  }
0x42: {  	[smem:$0x7E8] =	sst s6;
	s14 =	simm.s32 $0x3  }
0x43: {  	[tilespmem:s2], [sflag:$0x3] =	stream.linear.gather [hbm4b:s1+s2], $0x1000, $0x38;
	[tilespmem:$0x7800] =	vst v63  }
0x44: {  	_ =	swait.ge [sflag:s14], $0x1000  }
0x45: {  	[sflag:s14] =	ssyncset.done $0x0  }
0x46: {  	s15 =	simm.s32 $0x0;
	[sflag:s14] =	ssyncadd.s32 $0xFFFFF000  }
0x47: {  	[tilespmem:s10], [sflag:$0x1] =	stream.indirect.gather [hbm4b:s0+s3], $0x80, s15, s3, $0xb8;
	[tilespmem:$0x7800] =	vst v63  }
0x48: {  	s13 =	simm.s32 $0x80  }
0x49: {  	[tilespmem:s4], [sflag:$0x1] =	stream.indirect.gather [hbm4b:s0+s3], $0x80, s13, s3, $0xb8;
	[tilespmem:$0x7800] =	vst v63  }
0x4a: {  	_ =	swait.ge [sflag:s5], $0x3400  }
0x4b: {  	[sflag:s5] =	ssyncset.done $0x0  }
0x4c: {  	[sflag:s5] =	ssyncadd.s32 $0xFFFFCC00  }
0x4d: {  	_ =	swait.ge [sflag:s5], $0x3400  }
0x4e: {  	s16 =	rddreg [dreg:$0x2]  }
0x4f: {  	s14 =	rddreg [dreg:$0x1c]  }
0x50: {  	s15 =	rddreg [dreg:$0x1b]  }
0x51: {  	s17 =	rddreg [dreg:$0x4]  }
0x52: {  	s18 =	rddreg [dreg:$0x1d]  }
0x53: {  	s19 =	rddreg [dreg:$0x1e]  }
0x54: {  	s20 =	rddreg [dreg:$0x5]  }
0x55: {  	s21 =	rddreg [dreg:$0x6]  }
0x56: {  	s23 =	rddreg [dreg:$0x1f]  }
0x57: {  	s24 =	rddreg [dreg:$0x7]  }
0x58: {  	s25 =	sld [smem:$0x7E9]  }
0x59: {  	s26 =	sld [smem:$0x7EA]  }
0x5a: {  	s28 =	rddreg [dreg:$0x8]  }
0x5b: {  	s29 =	rddreg [dreg:$0x9]  }
0x5c: {  	s31 =	sld [smem:$0x7EB]  }
0x5d: {  	s6 =	rddreg [dreg:$0xa]  }
0x5e: {  	s7 =	sld [smem:$0x7EC]  }
0x5f: {  	s8 =	sld [smem:$0x7ED]  }
0x60: {  	s9 =	rddreg [dreg:$0xb]  }
0x61: {  	[sflag:s5] =	ssyncset.done $0x0;
	s12 =	rddreg [dreg:$0xc]  }
0x62: {  	[sflag:s5] =	ssyncadd.s32 $0xFFFFCC00;
	s1 =	sadd.s32 $0x0, s16;
	s16 =	rddreg [dreg:$0x3]  }
0x63: {  	[hbm4b:s1+s2] =	stream.linear.scatter [tilespmem:s10], [sflag:$0x2], $0x400, $0x38;
	[tilespmem:$0x7800] =	vst v63  }
0x64: {  	s22 =	sadd.s32 $0x0, s20;
	s20 =	sld [smem:$0x7F0];
	s1 =	sadd.s32 $0x80, s1  }
0x65: {  	[hbm4b:s1+s2] =	stream.linear.scatter [tilespmem:s15], [sflag:$0x2], $0x400, $0x38;
	[tilespmem:$0x7800] =	vst v63  }
0x66: {  	s16 =	sadd.s32 $0x0, s16;
	s1 =	sadd.s32 $0x0, s17;
	s17 =	sld [smem:$0x7EE]  }
0x67: {  	[hbm4b:s16+s2] =	stream.linear.scatter [tilespmem:s14], [sflag:$0x2], $0x400, $0x38;
	[tilespmem:$0x7800] =	vst v63  }
0x68: {  	s14 =	sadd.s32 $0x0, s24;
	s24 =	rddreg [dreg:$0x10]  }
0x69: {  	s16 =	sadd.s32 $0x0, s9;
	s9 =	sld [smem:$0x7F7]  }
0x6a: {  	s30 =	sadd.s32 $0x0, s28;
	s28 =	sadd.s32 $0x0, s24;
	s24 =	rddreg [dreg:$0x18]  }
0x6b: {  	[hbm4b:s1+s2] =	stream.linear.scatter [tilespmem:s18], [sflag:$0x2], $0x400, $0x38;
	[tilespmem:$0x7800] =	vst v63  }
0x6c: {  	s18 =	rddreg [dreg:$0xd]  }
0x6d: {  	s1 =	sadd.s32 $0x0, s21;
	s21 =	rddreg [dreg:$0xe]  }
0x6e: {  	[hbm4b:s22+s2] =	stream.linear.scatter [tilespmem:s19], [sflag:$0x2], $0x400, $0x38;
	[tilespmem:$0x7800] =	vst v63  }
0x6f: {  	s19 =	sld [smem:$0x7EF]  }
0x70: {  	s22 =	rddreg [dreg:$0xf]  }
0x71: {  	[hbm4b:s1+s2] =	stream.linear.scatter [tilespmem:s23], [sflag:$0x2], $0x400, $0x38;
	[tilespmem:$0x7800] =	vst v63  }
0x72: {  	s1 =	sadd.s32 $0x0, s6;
	s6 =	rddreg [dreg:$0x13]  }
0x73: {  	[hbm4b:s14+s2] =	stream.linear.scatter [tilespmem:s25], [sflag:$0x2], $0x400, $0x38;
	[tilespmem:$0x7800] =	vst v63  }
0x74: {  	s23 =	sadd.s32 $0x0, s21;
	s21 =	rddreg [dreg:$0x17]  }
0x75: {  	[hbm4b:s30+s2] =	stream.linear.scatter [tilespmem:s26], [sflag:$0x2], $0x400, $0x38;
	[tilespmem:$0x7800] =	vst v63  }
0x76: {  	s14 =	sadd.s32 $0x0, s29;
	s25 =	sld [smem:$0x7F1]  }
0x77: {  	[hbm4b:s14+s2] =	stream.linear.scatter [tilespmem:s31], [sflag:$0x2], $0x400, $0x38;
	[tilespmem:$0x7800] =	vst v63  }
0x78: {  	s29 =	sld [smem:$0x7F2]  }
0x79: {  	[hbm4b:s1+s2] =	stream.linear.scatter [tilespmem:s7], [sflag:$0x2], $0x400, $0x38;
	[tilespmem:$0x7800] =	vst v63  }
0x7a: {  	s26 =	rddreg [dreg:$0x11]  }
0x7b: {  	[hbm4b:s16+s2] =	stream.linear.scatter [tilespmem:s8], [sflag:$0x2], $0x400, $0x38;
	[tilespmem:$0x7800] =	vst v63  }
0x7c: {  	s30 =	sld [smem:$0x7F3];
	s1 =	sadd.s32 $0x0, s12  }
0x7d: {  	[hbm4b:s1+s2] =	stream.linear.scatter [tilespmem:s17], [sflag:$0x2], $0x400, $0x38;
	[tilespmem:$0x7800] =	vst v63  }
0x7e: {  	s14 =	sadd.s32 $0x0, s18;
	s31 =	rddreg [dreg:$0x12]  }
0x7f: {  	[hbm4b:s14+s2] =	stream.linear.scatter [tilespmem:s19], [sflag:$0x2], $0x400, $0x38;
	[tilespmem:$0x7800] =	vst v63  }
0x80: {  	s18 =	rddreg [dreg:$0x16]  }
0x81: {  	[hbm4b:s23+s2] =	stream.linear.scatter [tilespmem:s4], [sflag:$0x2], $0x400, $0x38;
	[tilespmem:$0x7800] =	vst v63  }
0x82: {  	s7 =	sld [smem:$0x7F5];
	s14 =	sadd.s32 $0x0, s22  }
0x83: {  	[hbm4b:s14+s2] =	stream.linear.scatter [tilespmem:s20], [sflag:$0x2], $0x400, $0x38;
	[tilespmem:$0x7800] =	vst v63  }
0x84: {  	s12 =	sld [smem:$0x7F8]  }
0x85: {  	[hbm4b:s28+s2] =	stream.linear.scatter [tilespmem:s25], [sflag:$0x2], $0x400, $0x38;
	[tilespmem:$0x7800] =	vst v63  }
0x86: {  	s8 =	rddreg [dreg:$0x14];
	s1 =	sadd.s32 $0x0, s26  }
0x87: {  	[hbm4b:s1+s2] =	stream.linear.scatter [tilespmem:s29], [sflag:$0x2], $0x400, $0x38;
	[tilespmem:$0x7800] =	vst v63  }
0x88: {  	s15 =	sadd.s32 $0x0, s31;
	s17 =	rddreg [dreg:$0x15]  }
0x89: {  	[hbm4b:s15+s2] =	stream.linear.scatter [tilespmem:s30], [sflag:$0x2], $0x400, $0x38;
	[tilespmem:$0x7800] =	vst v63  }
0x8a: {  	s22 =	sld [smem:$0x7FA];
	s1 =	sadd.s32 $0x0, s6  }
0x8b: {  	[hbm4b:s1+s2] =	stream.linear.scatter [tilespmem:s7], [sflag:$0x2], $0x400, $0x38;
	[tilespmem:$0x7800] =	vst v63  }
0x8c: {  	s23 =	sld [smem:$0x7FB];
	s14 =	sadd.s32 $0x0, s8  }
0x8d: {  	[hbm4b:s14+s2] =	stream.linear.scatter [tilespmem:s9], [sflag:$0x2], $0x400, $0x38;
	[tilespmem:$0x7800] =	vst v63  }
0x8e: {  	s19 =	sadd.s32 $0x0, s17;
	s20 =	sld [smem:$0x7F9]  }
0x8f: {  	[hbm4b:s19+s2] =	stream.linear.scatter [tilespmem:s12], [sflag:$0x2], $0x400, $0x38;
	[tilespmem:$0x7800] =	vst v63  }
0x90: {  	s25 =	rddreg [dreg:$0x19];
	s14 =	sadd.s32 $0x0, s18  }
0x91: {  	[hbm4b:s14+s2] =	stream.linear.scatter [tilespmem:s20], [sflag:$0x2], $0x400, $0x38;
	[tilespmem:$0x7800] =	vst v63  }
0x92: {  	s28 =	sld [smem:$0x7FC];
	s1 =	sadd.s32 $0x0, s21  }
0x93: {  	[hbm4b:s1+s2] =	stream.linear.scatter [tilespmem:s22], [sflag:$0x2], $0x400, $0x38;
	[tilespmem:$0x7800] =	vst v63  }
0x94: {  	s26 =	sadd.s32 $0x0, s24;
	s29 =	rddreg [dreg:$0x1a]  }
0x95: {  	[hbm4b:s26+s2] =	stream.linear.scatter [tilespmem:s23], [sflag:$0x2], $0x400, $0x38;
	[tilespmem:$0x7800] =	vst v63  }
0x96: {  	s30 =	sld [smem:$0x7FD];
	s1 =	sadd.s32 $0x0, s25  }
0x97: {  	[hbm4b:s1+s2] =	stream.linear.scatter [tilespmem:s28], [sflag:$0x2], $0x400, $0x38;
	[tilespmem:$0x7800] =	vst v63  }
0x98: {  	s31 =	sadd.s32 $0x0, s29  }
0x99: {  	[hbm4b:s31+s2] =	stream.linear.scatter [tilespmem:s30], [sflag:$0x2], $0x400, $0x38;
	[tilespmem:$0x7800] =	vst v63  }
0x9a: {  	_ =	swait.ge [sflag:s11], $0x400  }
0x9b: {  	[sflag:s11] =	ssyncset.done $0x0  }
0x9c: {  	[sflag:s11] =	ssyncadd.s32 $0xFFFFFC00  }
0x9d: {  	_ =	swait.ge [sflag:s11], $0x400  }
0x9e: {  	[sflag:s11] =	ssyncset.done $0x0  }
0x9f: {  	[sflag:s11] =	ssyncadd.s32 $0xFFFFFC00  }
0xa0: {  	_ =	swait.ge [sflag:s11], $0x400  }
0xa1: {  	[sflag:s11] =	ssyncset.done $0x0  }
0xa2: {  	[sflag:s11] =	ssyncadd.s32 $0xFFFFFC00  }
0xa3: {  	_ =	swait.ge [sflag:s11], $0x400  }
0xa4: {  	[sflag:s11] =	ssyncset.done $0x0  }
0xa5: {  	[sflag:s11] =	ssyncadd.s32 $0xFFFFFC00  }
0xa6: {  	_ =	swait.ge [sflag:s11], $0x400  }
0xa7: {  	[sflag:s11] =	ssyncset.done $0x0  }
0xa8: {  	[sflag:s11] =	ssyncadd.s32 $0xFFFFFC00  }
0xa9: {  	_ =	swait.ge [sflag:s11], $0x400  }
0xaa: {  	[sflag:s11] =	ssyncset.done $0x0  }
0xab: {  	[sflag:s11] =	ssyncadd.s32 $0xFFFFFC00  }
0xac: {  	_ =	swait.ge [sflag:s11], $0x400  }
0xad: {  	[sflag:s11] =	ssyncset.done $0x0  }
0xae: {  	[sflag:s11] =	ssyncadd.s32 $0xFFFFFC00  }
0xaf: {  	_ =	swait.ge [sflag:s11], $0x400  }
0xb0: {  	[sflag:s11] =	ssyncset.done $0x0  }
0xb1: {  	[sflag:s11] =	ssyncadd.s32 $0xFFFFFC00  }
0xb2: {  	_ =	swait.ge [sflag:s11], $0x400  }
0xb3: {  	[sflag:s11] =	ssyncset.done $0x0  }
0xb4: {  	[sflag:s11] =	ssyncadd.s32 $0xFFFFFC00  }
0xb5: {  	_ =	swait.ge [sflag:s11], $0x400  }
0xb6: {  	[sflag:s11] =	ssyncset.done $0x0  }
0xb7: {  	[sflag:s11] =	ssyncadd.s32 $0xFFFFFC00  }
0xb8: {  	_ =	swait.ge [sflag:s11], $0x400  }
0xb9: {  	[sflag:s11] =	ssyncset.done $0x0  }
0xba: {  	[sflag:s11] =	ssyncadd.s32 $0xFFFFFC00  }
0xbb: {  	_ =	swait.ge [sflag:s11], $0x400  }
0xbc: {  	[sflag:s11] =	ssyncset.done $0x0  }
0xbd: {  	[sflag:s11] =	ssyncadd.s32 $0xFFFFFC00  }
0xbe: {  	_ =	swait.ge [sflag:s11], $0x400  }
0xbf: {  	[sflag:s11] =	ssyncset.done $0x0  }
0xc0: {  	[sflag:s11] =	ssyncadd.s32 $0xFFFFFC00  }
0xc1: {  	_ =	swait.ge [sflag:s11], $0x400  }
0xc2: {  	[sflag:s11] =	ssyncset.done $0x0  }
0xc3: {  	[sflag:s11] =	ssyncadd.s32 $0xFFFFFC00  }
0xc4: {  	_ =	swait.ge [sflag:s11], $0x400  }
0xc5: {  	[sflag:s11] =	ssyncset.done $0x0  }
0xc6: {  	[sflag:s11] =	ssyncadd.s32 $0xFFFFFC00  }
0xc7: {  	_ =	swait.ge [sflag:s11], $0x400  }
0xc8: {  	[sflag:s11] =	ssyncset.done $0x0  }
0xc9: {  	[sflag:s11] =	ssyncadd.s32 $0xFFFFFC00  }
0xca: {  	_ =	swait.ge [sflag:s11], $0x400  }
0xcb: {  	[sflag:s11] =	ssyncset.done $0x0  }
0xcc: {  	[sflag:s11] =	ssyncadd.s32 $0xFFFFFC00  }
0xcd: {  	_ =	swait.ge [sflag:s11], $0x400  }
0xce: {  	[sflag:s11] =	ssyncset.done $0x0  }
0xcf: {  	s14 =	simm.s32 $0xD00;
	[sflag:s11] =	ssyncadd.s32 $0xFFFFFC00  }
.LBB2_2:
0xd0: {  	_ =	swait.ge [sflag:s11], $0x400  }
0xd1: {  	[sflag:s11] =	ssyncset.done $0x0  }
0xd2: {  	[sflag:s11] =	ssyncadd.s32 $0xFFFFFC00  }
0xd3: {  	_ =	swait.ge [sflag:s11], $0x400  }
0xd4: {  	[sflag:s11] =	ssyncset.done $0x0  }
0xd5: {  	[sflag:s11] =	ssyncadd.s32 $0xFFFFFC00  }
0xd6: {  	_ =	swait.ge [sflag:s11], $0x400  }
0xd7: {  	[sflag:s11] =	ssyncset.done $0x0  }
0xd8: {  	[sflag:s11] =	ssyncadd.s32 $0xFFFFFC00  }
0xd9: {  	_ =	swait.ge [sflag:s11], $0x400  }
0xda: {  	[sflag:s11] =	ssyncset.done $0x0  }
0xdb: {  	[sflag:s11] =	ssyncadd.s32 $0xFFFFFC00  }
0xdc: {  	_ =	swait.ge [sflag:s11], $0x400  }
0xdd: {  	[sflag:s11] =	ssyncset.done $0x0  }
0xde: {  	[sflag:s11] =	ssyncadd.s32 $0xFFFFFC00  }
0xdf: {  	_ =	swait.ge [sflag:s11], $0x400  }
0xe0: {  	[sflag:s11] =	ssyncset.done $0x0  }
0xe1: {  	[sflag:s11] =	ssyncadd.s32 $0xFFFFFC00  }
0xe2: {  	_ =	swait.ge [sflag:s11], $0x400  }
0xe3: {  	[sflag:s11] =	ssyncset.done $0x0  }
0xe4: {  	[sflag:s11] =	ssyncadd.s32 $0xFFFFFC00  }
0xe5: {  	_ =	swait.ge [sflag:s11], $0x400  }
0xe6: {  	s13 =	sadd.s32 $0x100, s13;
	[sflag:s11] =	ssyncset.done $0x0  }
0xe7: {  	s1 =	sadd.s32 $0xFFFFFF80, s13;
	[sflag:s11] =	ssyncadd.s32 $0xFFFFFC00  }
0xe8: {  	[tilespmem:s10], [sflag:$0x1] =	stream.indirect.gather [hbm4b:s0+s3], $0x80, s1, s3, $0xb8;
	[tilespmem:$0x7800] =	vst v63  }
0xe9: {  	_ = 	snop  }
0xea: {  	[tilespmem:s4], [sflag:$0x1] =	stream.indirect.gather [hbm4b:s0+s3], $0x80, s13, s3, $0xb8;
	[tilespmem:$0x7800] =	vst v63  }
0xeb: {  	_ =	swait.ge [sflag:s5], $0x3400  }
0xec: {  	[sflag:s5] =	ssyncset.done $0x0  }
0xed: {  	[sflag:s5] =	ssyncadd.s32 $0xFFFFCC00  }
0xee: {  	_ =	swait.ge [sflag:s5], $0x3400  }
0xef: {  	s6 =	sld [smem:$0x7FB]  }
0xf0: {  	s19 =	sld [smem:$0x7F8]  }
0xf1: {  	s17 =	rddreg [dreg:$0x18]  }
0xf2: {  	s18 =	rddreg [dreg:$0x17]  }
0xf3: {  	s22 =	sld [smem:$0x7F3]  }
0xf4: {  	s20 =	rddreg [dreg:$0x15]  }
0xf5: {  	s21 =	rddreg [dreg:$0x14]  }
0xf6: {  	s26 =	sld [smem:$0x7F0]  }
0xf7: {  	s24 =	rddreg [dreg:$0x12]  }
0xf8: {  	s25 =	rddreg [dreg:$0x11]  }
0xf9: {  	s30 =	sld [smem:$0x7ED]  }
0xfa: {  	s28 =	rddreg [dreg:$0xe]  }
0xfb: {  	s29 =	rddreg [dreg:$0xd]  }
0xfc: {  	s16 =	smov.u32 s0;
	s0 =	sld [smem:$0x7EA]  }
0xfd: {  	s31 =	rddreg [dreg:$0xb]  }
0xfe: {  	s1 =	rddreg [dreg:$0xa]  }
0xff: {  	s4 =	rddreg [dreg:$0x1c]  }
0x100: {  	s12 =	rddreg [dreg:$0x3]  }
0x101: {  	s7 =	rddreg [dreg:$0x4]  }
0x102: {  	s23 =	rddreg [dreg:$0x2]  }
0x103: {  	s8 =	rddreg [dreg:$0x7]  }
0x104: {  	[sflag:s5] =	ssyncset.done $0x0;
	s9 =	rddreg [dreg:$0x1d]  }
0x105: {  	s15 =	smov.u32 s14;
	[sflag:s5] =	ssyncadd.s32 $0xFFFFCC00;
	s5 =	rddreg [dreg:$0x8]  }
0x106: {  	s3 =	sadd.s32 s15, s23;
	s23 =	rddreg [dreg:$0x1a]  }
0x107: {  	[hbm4b:s3+s2] =	stream.linear.scatter [tilespmem:s10], [sflag:$0x2], $0x400, $0x38;
	[tilespmem:$0x7800] =	vst v63  }
0x108: {  	s10 =	rddreg [dreg:$0x1e]  }
0x109: {  	[smem:$0x7E7] =	sst s6  }
0x10a: {  	s3 =	sadd.s32 $0x80, s3;
	s6 =	rddreg [dreg:$0x1b]  }
0x10b: {  	[hbm4b:s3+s2] =	stream.linear.scatter [tilespmem:s6], [sflag:$0x2], $0x400, $0x38;
	[tilespmem:$0x7800] =	vst v63  }
0x10c: {  	s6 =	rddreg [dreg:$0x5]  }
0x10d: {  	s12 =	sadd.s32 s15, s12;
	s3 =	sadd.s32 s15, s7;
	s7 =	rddreg [dreg:$0x6]  }
0x10e: {  	[hbm4b:s12+s2] =	stream.linear.scatter [tilespmem:s4], [sflag:$0x2], $0x400, $0x38;
	[tilespmem:$0x7800] =	vst v63  }
0x10f: {  	s12 =	rddreg [dreg:$0x1f]  }
0x110: {  	[hbm4b:s3+s2] =	stream.linear.scatter [tilespmem:s9], [sflag:$0x2], $0x400, $0x38;
	[tilespmem:$0x7800] =	vst v63  }
0x111: {  	s4 =	sadd.s32 s15, s7;
	s7 =	sld [smem:$0x7E9];
	s9 =	sadd.s32 s15, s6  }
0x112: {  	[hbm4b:s9+s2] =	stream.linear.scatter [tilespmem:s10], [sflag:$0x2], $0x400, $0x38;
	[tilespmem:$0x7800] =	vst v63  }
0x113: {  	s6 =	rddreg [dreg:$0xc]  }
0x114: {  	[hbm4b:s4+s2] =	stream.linear.scatter [tilespmem:s12], [sflag:$0x2], $0x400, $0x38;
	[tilespmem:$0x7800] =	vst v63  }
0x115: {  	s9 =	sadd.s32 s15, s8;
	s8 =	sld [smem:$0x7EB]  }
0x116: {  	[hbm4b:s9+s2] =	stream.linear.scatter [tilespmem:s7], [sflag:$0x2], $0x400, $0x38;
	[tilespmem:$0x7800] =	vst v63  }
0x117: {  	s12 =	rddreg [dreg:$0x9];
	s7 =	sadd.s32 s15, s5  }
0x118: {  	[hbm4b:s7+s2] =	stream.linear.scatter [tilespmem:s0], [sflag:$0x2], $0x400, $0x38;
	[tilespmem:$0x7800] =	vst v63  }
0x119: {  	s9 =	sadd.s32 s15, s12;
	s12 =	sld [smem:$0x7EC]  }
0x11a: {  	[hbm4b:s9+s2] =	stream.linear.scatter [tilespmem:s8], [sflag:$0x2], $0x400, $0x38;
	[tilespmem:$0x7800] =	vst v63  }
0x11b: {  	s1 =	sadd.s32 s15, s1;
	s7 =	sadd.s32 s15, s31;
	s31 =	rddreg [dreg:$0xf]  }
0x11c: {  	[hbm4b:s1+s2] =	stream.linear.scatter [tilespmem:s12], [sflag:$0x2], $0x400, $0x38;
	[tilespmem:$0x7800] =	vst v63  }
0x11d: {  	s8 =	sld [smem:$0x7EE]  }
0x11e: {  	[hbm4b:s7+s2] =	stream.linear.scatter [tilespmem:s30], [sflag:$0x2], $0x400, $0x38;
	[tilespmem:$0x7800] =	vst v63  }
0x11f: {  	s9 =	sadd.s32 s15, s6;
	s12 =	sld [smem:$0x7EF]  }
0x120: {  	[hbm4b:s9+s2] =	stream.linear.scatter [tilespmem:s8], [sflag:$0x2], $0x400, $0x38;
	[tilespmem:$0x7800] =	vst v63  }
0x121: {  	s30 =	sadd.s32 s15, s29;
	s7 =	rddreg [dreg:$0x10]  }
0x122: {  	[hbm4b:s30+s2] =	stream.linear.scatter [tilespmem:s12], [sflag:$0x2], $0x400, $0x38;
	[tilespmem:$0x7800] =	vst v63  }
0x123: {  	s4 =	simm.s32 $0x4400;
	s6 =	sadd.s32 s15, s28;
	s29 =	rddreg [dreg:$0x13]  }
0x124: {  	[hbm4b:s6+s2] =	stream.linear.scatter [tilespmem:s4], [sflag:$0x2], $0x400, $0x38;
	[tilespmem:$0x7800] =	vst v63  }
0x125: {  	s8 =	sadd.s32 s15, s31;
	s9 =	sld [smem:$0x7F1]  }
0x126: {  	[hbm4b:s8+s2] =	stream.linear.scatter [tilespmem:s26], [sflag:$0x2], $0x400, $0x38;
	[tilespmem:$0x7800] =	vst v63  }
0x127: {  	s12 =	sadd.s32 s15, s7;
	s26 =	sld [smem:$0x7F2]  }
0x128: {  	[hbm4b:s12+s2] =	stream.linear.scatter [tilespmem:s9], [sflag:$0x2], $0x400, $0x38;
	[tilespmem:$0x7800] =	vst v63  }
0x129: {  	s28 =	sadd.s32 s15, s25;
	s31 =	sld [smem:$0x7F5]  }
0x12a: {  	[hbm4b:s28+s2] =	stream.linear.scatter [tilespmem:s26], [sflag:$0x2], $0x400, $0x38;
	[tilespmem:$0x7800] =	vst v63  }
0x12b: {  	s30 =	sadd.s32 s15, s24;
	s7 =	sadd.s32 s15, s21;
	s21 =	sld [smem:$0x7FA]  }
0x12c: {  	[hbm4b:s30+s2] =	stream.linear.scatter [tilespmem:s22], [sflag:$0x2], $0x400, $0x38;
	[tilespmem:$0x7800] =	vst v63  }
0x12d: {  	s3 =	sadd.s32 s15, s29;
	s6 =	sld [smem:$0x7F7]  }
0x12e: {  	[hbm4b:s3+s2] =	stream.linear.scatter [tilespmem:s31], [sflag:$0x2], $0x400, $0x38;
	[tilespmem:$0x7800] =	vst v63  }
0x12f: {  	s8 =	rddreg [dreg:$0x16]  }
0x130: {  	[hbm4b:s7+s2] =	stream.linear.scatter [tilespmem:s6], [sflag:$0x2], $0x400, $0x38;
	[tilespmem:$0x7800] =	vst v63  }
0x131: {  	s9 =	sadd.s32 s15, s20;
	s12 =	sld [smem:$0x7F9]  }
0x132: {  	[hbm4b:s9+s2] =	stream.linear.scatter [tilespmem:s19], [sflag:$0x2], $0x400, $0x38;
	[tilespmem:$0x7800] =	vst v63  }
0x133: {  	s24 =	rddreg [dreg:$0x19];
	s20 =	sadd.s32 s15, s8  }
0x134: {  	[hbm4b:s20+s2] =	stream.linear.scatter [tilespmem:s12], [sflag:$0x2], $0x400, $0x38;
	[tilespmem:$0x7800] =	vst v63  }
0x135: {  	s28 =	sld [smem:$0x7E7];
	s22 =	sadd.s32 s15, s18  }
0x136: {  	[hbm4b:s22+s2] =	stream.linear.scatter [tilespmem:s21], [sflag:$0x2], $0x400, $0x38;
	[tilespmem:$0x7800] =	vst v63  }
0x137: {  	s25 =	sadd.s32 s15, s17;
	s26 =	sld [smem:$0x7FC]  }
0x138: {  	[hbm4b:s25+s2] =	stream.linear.scatter [tilespmem:s28], [sflag:$0x2], $0x400, $0x38;
	[tilespmem:$0x7800] =	vst v63  }
0x139: {  	s29 =	sadd.s32 s15, s24;
	s30 =	sld [smem:$0x7FD]  }
0x13a: {  	[hbm4b:s29+s2] =	stream.linear.scatter [tilespmem:s26], [sflag:$0x2], $0x400, $0x38;
	[tilespmem:$0x7800] =	vst v63  }
0x13b: {  	s31 =	sadd.s32 s15, s23  }
0x13c: {  	[hbm4b:s31+s2] =	stream.linear.scatter [tilespmem:s30], [sflag:$0x2], $0x400, $0x38;
	[tilespmem:$0x7800] =	vst v63  }
0x13d: {  	_ =	swait.ge [sflag:s11], $0x400  }
0x13e: {  	[sflag:s11] =	ssyncset.done $0x0  }
0x13f: {  	[sflag:s11] =	ssyncadd.s32 $0xFFFFFC00  }
0x140: {  	_ =	swait.ge [sflag:s11], $0x400  }
0x141: {  	[sflag:s11] =	ssyncset.done $0x0  }
0x142: {  	[sflag:s11] =	ssyncadd.s32 $0xFFFFFC00  }
0x143: {  	_ =	swait.ge [sflag:s11], $0x400  }
0x144: {  	[sflag:s11] =	ssyncset.done $0x0  }
0x145: {  	[sflag:s11] =	ssyncadd.s32 $0xFFFFFC00  }
0x146: {  	_ =	swait.ge [sflag:s11], $0x400  }
0x147: {  	[sflag:s11] =	ssyncset.done $0x0  }
0x148: {  	[sflag:s11] =	ssyncadd.s32 $0xFFFFFC00  }
0x149: {  	_ =	swait.ge [sflag:s11], $0x400  }
0x14a: {  	[sflag:s11] =	ssyncset.done $0x0  }
0x14b: {  	[sflag:s11] =	ssyncadd.s32 $0xFFFFFC00  }
0x14c: {  	_ =	swait.ge [sflag:s11], $0x400  }
0x14d: {  	[sflag:s11] =	ssyncset.done $0x0  }
0x14e: {  	[sflag:s11] =	ssyncadd.s32 $0xFFFFFC00  }
0x14f: {  	_ =	swait.ge [sflag:s11], $0x400  }
0x150: {  	[sflag:s11] =	ssyncset.done $0x0  }
0x151: {  	[sflag:s11] =	ssyncadd.s32 $0xFFFFFC00  }
0x152: {  	_ =	swait.ge [sflag:s11], $0x400  }
0x153: {  	[sflag:s11] =	ssyncset.done $0x0  }
0x154: {  	[sflag:s11] =	ssyncadd.s32 $0xFFFFFC00  }
0x155: {  	_ =	swait.ge [sflag:s11], $0x400  }
0x156: {  	[sflag:s11] =	ssyncset.done $0x0  }
0x157: {  	[sflag:s11] =	ssyncadd.s32 $0xFFFFFC00  }
0x158: {  	_ =	swait.ge [sflag:s11], $0x400  }
0x159: {  	[sflag:s11] =	ssyncset.done $0x0  }
0x15a: {  	[sflag:s11] =	ssyncadd.s32 $0xFFFFFC00  }
0x15b: {  	_ =	swait.ge [sflag:s11], $0x400  }
0x15c: {  	[sflag:s11] =	ssyncset.done $0x0  }
0x15d: {  	[sflag:s11] =	ssyncadd.s32 $0xFFFFFC00  }
0x15e: {  	_ =	swait.ge [sflag:s11], $0x400  }
0x15f: {  	[sflag:s11] =	ssyncset.done $0x0  }
0x160: {  	[sflag:s11] =	ssyncadd.s32 $0xFFFFFC00  }
0x161: {  	_ =	swait.ge [sflag:s11], $0x400  }
0x162: {  	[sflag:s11] =	ssyncset.done $0x0  }
0x163: {  	[sflag:s11] =	ssyncadd.s32 $0xFFFFFC00  }
0x164: {  	_ =	swait.ge [sflag:s11], $0x400  }
0x165: {  	[sflag:s11] =	ssyncset.done $0x0  }
0x166: {  	[sflag:s11] =	ssyncadd.s32 $0xFFFFFC00  }
0x167: {  	_ =	swait.ge [sflag:s11], $0x400  }
0x168: {  	[sflag:s11] =	ssyncset.done $0x0  }
0x169: {  	[sflag:s11] =	ssyncadd.s32 $0xFFFFFC00  }
0x16a: {  	_ =	swait.ge [sflag:s11], $0x400  }
0x16b: {  	[sflag:s11] =	ssyncset.done $0x0  }
0x16c: {  	[sflag:s11] =	ssyncadd.s32 $0xFFFFFC00  }
0x16d: {  	p0 =	sne.s32 s14, $0xC300;
	_ =	swait.ge [sflag:s11], $0x400  }
.Ltmp0:
0x16e: {  	[sflag:s11] =	ssyncset.done $0x0;
	(pc) =	sbr.rel @p0 .LBB2_2-.Ltmp0, $4  }
0x16f: {  	[sflag:s11] =	ssyncadd.s32 $0xFFFFFC00  }
0x170: {  	s14 =	sadd.s32 $0xD00, s14;
	_ =	swait.ge [sflag:s11], $0x400  }
0x171: {  	s10 =	simm.s32 $0x1000;
	s5 =	simm.s32 $0x1;
	[sflag:s11] =	ssyncset.done $0x0  }
0x172: {  	s0 =	smov.u32 s16;
	s3 =	simm.s32 $0x68;
	[sflag:s11] =	ssyncadd.s32 $0xFFFFFC00  }
0x173: {  	_ =	swait.ge [sflag:s11], $0x400  }
0x174: {  	[sflag:s11] =	ssyncset.done $0x0  }
0x175: {  	[sflag:s11] =	ssyncadd.s32 $0xFFFFFC00  }
0x176: {  	_ =	swait.ge [sflag:s11], $0x400  }
0x177: {  	[sflag:s11] =	ssyncset.done $0x0  }
0x178: {  	[sflag:s11] =	ssyncadd.s32 $0xFFFFFC00  }
0x179: {  	_ =	swait.ge [sflag:s11], $0x400  }
0x17a: {  	[sflag:s11] =	ssyncset.done $0x0  }
0x17b: {  	[sflag:s11] =	ssyncadd.s32 $0xFFFFFC00  }
0x17c: {  	_ =	swait.ge [sflag:s11], $0x400  }
0x17d: {  	[sflag:s11] =	ssyncset.done $0x0  }
0x17e: {  	[sflag:s11] =	ssyncadd.s32 $0xFFFFFC00  }
0x17f: {  	_ =	swait.ge [sflag:s11], $0x400  }
0x180: {  	[sflag:s11] =	ssyncset.done $0x0  }
0x181: {  	[sflag:s11] =	ssyncadd.s32 $0xFFFFFC00  }
0x182: {  	_ =	swait.ge [sflag:s11], $0x400  }
0x183: {  	[sflag:s11] =	ssyncset.done $0x0  }
0x184: {  	[sflag:s11] =	ssyncadd.s32 $0xFFFFFC00  }
0x185: {  	_ =	swait.ge [sflag:s11], $0x400  }
0x186: {  	[sflag:s11] =	ssyncset.done $0x0  }
0x187: {  	[sflag:s11] =	ssyncadd.s32 $0xFFFFFC00  }
0x188: {  	_ =	swait.ge [sflag:s11], $0x400  }
0x189: {  	s6 =	sld [smem:$0x7E8]  }
0x18a: {  	s1 =	sld [smem:$0x7F6];
	_ =	sdelay $0x1  }
0x18b: {  	s6 =	sadd.s32 $0x1, s6  }
0x18c: {  	p0 =	sne.s32 s6, s1  }
.Ltmp1:
0x18d: {  	_ = 	snop;
	(pc) =	sbr.rel @p0 .LBB2_1-.Ltmp1, $3  }
0x18e: {  	_ =	sdelay $0x1  }
0x18f: {  	[sflag:s11] =	ssyncset.done $0x0  }
0x190: {  	[sflag:s11] =	ssyncadd.s32 $0xFFFFFC00  }
0x191: {  	_ =	sfence.sel $0x180000  }
0x192: {  	[bflag:$0x0] =	sbarrier.arrive $0xFFFF  }
0x193: {  	_ =	strace $0x90000047  }
0x194: {  	s0 =	stileid.u32;
	[bflag:$0x2] =	sbarrier.arrive $0xFFFF  }
0x195: {  	p0 =	sne.s32 s0, $0x0;
	s0 =	rddreg [dreg:$0x1]  }
0x196: {  	s0 =	sadd.s32 @!p0 $0x100000, s0  }
0x197: {  	[sflag:s0] =	ssyncadd.tile.s32 @!p0 $0x1;
	_ =	shalt  }
.Lfunc_end2:
_tile_overlayer_lowered:
.L_overlay_start_2:
0x198: {  	(tag) =	ssettag $0x2  }
0x199: {  	s0 =	rddreg [dreg:$0x0];
	s2 =	stileid.u32  }
0x19a: {  	s1 =	rddreg [dreg:$0x1];
	p0 =	sne.s32 s2, $0x0  }
0x19b: {  	s3 =	rddreg [dreg:$0x2];
	[bflag:$0x3] =	sbarrier.arrive $0xFFFF;
	s2 =	simm.s32 @!p0 $0x1C03  }
0x19c: {  	[timem:s3], [sflag:s2] =	dma.local @!p0 [hbm:s0], s1  }
0x19d: {  	s0 =	simm.s32 @!p0 $0x3  }
0x19e: {  	_ =	swait.ge @!p0 [sflag:s0], s1  }
0x19f: {  	s1 =	ssub.s32 @!p0 $0x0, s1;
	[sflag:s0] =	ssyncset.done @!p0 $0x0  }
0x1a0: {  	[sflag:s0] =	ssyncadd.s32 @!p0 s1  }
0x1a1: {  	[bflag:$0x3] =	sbarrier.arrive $0xFFFF  }
0x1a2: {  	_ =	shalt  }

// kernel: kernel.8.cloned.1.call-start
scs
__scs_entry_jumppad:
0x0: {  	(pc) =	sbr.rel $0x88, $3  }
0x1: {  	(tag) =	ssettag $0x0;
	lr =	simm.s32 $0x1  }
0x2: {  	[smem:$0x3F93] =	sst lr;
	_ =	strace $0xD0000000  }
0x3: {  	_ = 	snop  }
0x4: {  	_ = 	snop  }
0x5: {  	_ = 	snop  }
0x6: {  	_ = 	snop  }
0x7: {  	_ = 	snop  }
__scs_overlays_trampoline_lowered:
0x8: {  	[smem:$0x3FA2] =	sst s0  }
0x9: {  	[smem:$0x3FA3] =	sst s1  }
0xa: {  	[smem:$0x3FA4] =	sst s2  }
0xb: {  	[smem:$0x3FA5] =	sst s3  }
0xc: {  	[smem:$0x3FA6] =	sst s4  }
0xd: {  	[smem:$0x3FA7] =	sst s5  }
0xe: {  	[smem:$0x3FA8] =	sst s6  }
0xf: {  	[smem:$0x3FA9] =	sst s7  }
0x10: {  	[smem:$0x3FAA] =	sst s8  }
0x11: {  	[smem:$0x3FAB] =	sst s9;
	s0 =	simm.s32 @!p0 $0x0  }
0x12: {  	s1 =	sld [smem:$0x3F91];
	s0 =	simm.s32 @p0 $0x1  }
0x13: {  	[smem:$0x3FAC] =	sst s0;
	s0 =	simm.s32 @!p1 $0x0  }
0x14: {  	s2 =	sld [smem:$0x3F90];
	s0 =	simm.s32 @p1 $0x1  }
0x15: {  	[smem:$0x3FAD] =	sst s0;
	s0 =	simm.s32 @!p2 $0x0  }
0x16: {  	s3 =	sld [smem:$0x3FDB];
	s0 =	simm.s32 @p2 $0x1  }
0x17: {  	s4 =	simm.s32 $0x1BF5;
	[smem:$0x3FAF] =	sst s0  }
0x18: {  	s0 =	sld [smem:$0x3F92];
	_ =	swait.ge [sflag:s4], $0x0  }
0x19: {  	s7 =	sld [smem:$0x3F93]  }
0x1a: {  	s8 =	sadd.s32 $0xFFFFE003, lr  }
0x1b: {  	s9 =	sadd.s32 $0xFFFFFEF7, lr;
	s5 =	simm.s32 $0xFFFFFFFF;
	p2 =	slt.u32 s8, $0xFFFFF086  }
0x1c: {  	p1 =	slt.u32 s9, $0xF7A;
	s5 =	simm.s32 @!p2 $0x0  }
0x1d: {  	s5 =	simm.s32 @p1 $0x1;
	p0 =	seq.s32 s7, s2  }
0x1e: {  	s7 =	smul.u32 @!p0 $0xF7A, s2;
	p2 =	seq.s32 @!p0 s5, $0x0  }
0x1f: {  	s9 =	smul.u32 $0xF7A, s1;
	s8 =	simm.s32 @!p0 $0x1BF5;
	p2 =	por !p2, p0  }
0x20: {  	[sflag:s8] =	ssyncset.s32 @!p0 $0xFFFFF086;
	s6 =	sadd.s32 @!p0 s3, s7;
	s7 =	simm.s32 @!p0 $0x108  }
0x21: {  	s3 =	sadd.s32 s3, s9;
	s6 =	sadd.s32 @!p0 $0x88, s6;
	s7 =	simm.s32 @p2 $0x1082  }
0x22: {  	[simem:s7], [sflag:s8] =	dma.local @!p0 [hbm:s6], $0xF7A  }
0x23: {  	s9 =	sor.u32 $0xD0000000, s2;
	s6 =	simm.s32 $0x108;
	_ =	swait.ge @!p0 [sflag:s8], $0x0  }
0x24: {  	s3 =	sadd.s32 $0x88, s3;
	s6 =	simm.s32 @!p1 $0x1082;
	[sflag:s4] =	ssyncset.s32 $0xFFFFF086  }
0x25: {  	[simem:s6], [sflag:s4] =	dma.local [hbm:s3], $0xF7A  }
0x26: {  	[smem:$0x3F93] =	sst s1;
	(tag) =	ssettag s2;
	_ =	strace s9  }
0x27: {  	s1 =	sld [smem:$0x3FA3]  }
0x28: {  	s2 =	sld [smem:$0x3FA4]  }
0x29: {  	s4 =	sld [smem:$0x3FA6]  }
0x2a: {  	p0 =	seq.s32 s5, $0x0;
	s5 =	sld [smem:$0x3FA7]  }
0x2b: {  	s6 =	sld [smem:$0x3FA8]  }
0x2c: {  	s7 =	sld [smem:$0x3FA9]  }
0x2d: {  	s3 =	simm.s32 $0x108;
	s8 =	sld [smem:$0x3FAA]  }
0x2e: {  	s3 =	simm.s32 @!p0 $0x1082;
	s9 =	sld [smem:$0x3FAB]  }
0x2f: {  	lr =	sadd.s32 s0, s3;
	s0 =	sld [smem:$0x3FA2]  }
0x30: {  	s3 =	sld [smem:$0x3FA5]  }
0x31: {  	[smem:$0x3FAE] =	sst s10  }
0x32: {  	s10 =	sld [smem:$0x3FAC];
	_ =	sdelay $0x3  }
0x33: {  	p0 =	seq.s32 s10, $0x1;
	s10 =	sld [smem:$0x3FAE];
	_ =	sdelay $0x3  }
0x34: {  	[smem:$0x3FAE] =	sst s10  }
0x35: {  	s10 =	sld [smem:$0x3FAD];
	_ =	sdelay $0x3  }
0x36: {  	p1 =	seq.s32 s10, $0x1;
	s10 =	sld [smem:$0x3FAE];
	_ =	sdelay $0x3  }
0x37: {  	[smem:$0x3FAE] =	sst s10  }
0x38: {  	s10 =	sld [smem:$0x3FAF]  }
0x39: {  	_ = 	snop;
	(pc) =	sbr.ind lr, $3  }
0x3a: {  	_ = 	snop  }
0x3b: {  	_ = 	snop  }
0x3c: {  	p2 =	seq.s32 s10, $0x1;
	s10 =	sld [smem:$0x3FAE]  }
0x3d: {  	_ =	shalt  }
0x3e: {  	_ =	shalt  }
0x3f: {  	_ =	shalt  }
0x40: {  	_ =	shalt  }
0x41: {  	_ =	shalt  }
0x42: {  	_ =	shalt  }
0x43: {  	_ =	shalt  }
0x44: {  	_ =	shalt  }
0x45: {  	_ =	shalt  }
0x46: {  	_ =	shalt  }
0x47: {  	_ =	shalt  }
0x48: {  	_ =	shalt  }
0x49: {  	_ =	shalt  }
0x4a: {  	_ =	shalt  }
0x4b: {  	_ =	shalt  }
0x4c: {  	_ =	shalt  }
0x4d: {  	_ =	shalt  }
0x4e: {  	_ =	shalt  }
0x4f: {  	_ =	shalt  }
0x50: {  	_ =	shalt  }
0x51: {  	_ =	shalt  }
0x52: {  	_ =	shalt  }
0x53: {  	_ =	shalt  }
0x54: {  	_ =	shalt  }
0x55: {  	_ =	shalt  }
0x56: {  	_ =	shalt  }
0x57: {  	_ =	shalt  }
0x58: {  	_ =	shalt  }
0x59: {  	_ =	shalt  }
0x5a: {  	_ =	shalt  }
0x5b: {  	_ =	shalt  }
0x5c: {  	_ =	shalt  }
0x5d: {  	_ =	shalt  }
0x5e: {  	_ =	shalt  }
0x5f: {  	_ =	shalt  }
0x60: {  	_ =	shalt  }
0x61: {  	_ =	shalt  }
0x62: {  	_ =	shalt  }
0x63: {  	_ =	shalt  }
0x64: {  	_ =	shalt  }
0x65: {  	_ =	shalt  }
0x66: {  	_ =	shalt  }
0x67: {  	_ =	shalt  }
0x68: {  	_ =	shalt  }
0x69: {  	_ =	shalt  }
0x6a: {  	_ =	shalt  }
0x6b: {  	_ =	shalt  }
0x6c: {  	_ =	shalt  }
0x6d: {  	_ =	shalt  }
0x6e: {  	_ =	shalt  }
0x6f: {  	_ =	shalt  }
0x70: {  	_ =	shalt  }
0x71: {  	_ =	shalt  }
0x72: {  	_ =	shalt  }
0x73: {  	_ =	shalt  }
0x74: {  	_ =	shalt  }
0x75: {  	_ =	shalt  }
0x76: {  	_ =	shalt  }
0x77: {  	_ =	shalt  }
0x78: {  	_ =	shalt  }
0x79: {  	_ =	shalt  }
0x7a: {  	_ =	shalt  }
0x7b: {  	_ =	shalt  }
0x7c: {  	_ =	shalt  }
0x7d: {  	_ =	shalt  }
0x7e: {  	_ =	shalt  }
0x7f: {  	_ =	shalt  }
0x80: {  	_ =	shalt  }
0x81: {  	_ =	shalt  }
0x82: {  	_ =	shalt  }
0x83: {  	_ =	shalt  }
0x84: {  	_ =	shalt  }
0x85: {  	_ =	shalt  }
0x86: {  	_ =	shalt  }
0x87: {  	_ =	shalt  }
.Lfunc_end0:
.L_simem_size_0:
called_computation.1_lowered:
.L_overlay_start_0:
0x88: {  	s2 =	sld [smem:$0x3FD9]  }
0x89: {  	s3 =	sld [smem:$0x3FFE];
	_ =	sdelay $0x1  }
0x8a: {  	s1 =	srdreg.scid  }
0x8b: {  	s0 =	sand.u32 $0x1, s1  }
0x8c: {  	s17 =	sshll.u32 s0, $0xA;
	s2 =	sadd.s32 s3, s2  }
0x8d: {  	s2 =	sadd.s32 s2, s17  }
0x8e: {  	[smem:$0x3FBA] =	sst s2  }
0x8f: {  	_ = 	snop  }
0x90: {  	s18 =	sld [smem:$0x3FC9];
	(tm) =	ssettm $0x1  }
0x91: {  	s19 =	sld [smem:$0x3FFB];
	_ =	sdelay $0x3  }
0x92: {  	_ =	strace s19  }
0x93: {  	s2 =	sld [smem:$0x3FFC];
	_ =	sdelay $0x3  }
0x94: {  	_ =	strace s2  }
0x95: {  	s2 =	sld [smem:$0x3FFD];
	_ =	sdelay $0x3  }
0x96: {  	_ =	strace s2  }
0x97: {  	_ =	strace $0x8FFFFFFF  }
0x98: {  	s20 =	sld [smem:$0x3FDB];
	_ =	sdelay $0x1  }
0x99: {  	s4 =	simm.s32 $_scs_section_size  }
0x9a: {  	s5 =	simm.s32 $_size__tile_overlayer_lowered;
	s6 =	simm.s32 $_tile_overlayer_lowered  }
0x9b: {  	s7 =	simm.s32 $0x1BFF;
	s21 =	sshll.u32 s6, $0x1;
	s4 =	sadd.s32 s4, s20  }
0x9c: {  	s22 =	simm.s32 $0x0;
	s5 =	sshll.u32 s5, $0x1;
	s6 =	sadd.s32 s21, s4  }
0x9d: {  	[timem:s22], [sflag:s7] =	dma.local [hbm:s6], s5  }
0x9e: {  	_ =	swait.ge [sflag:s7], s5  }
0x9f: {  	s5 =	ssub.s32 $0x0, s5;
	[sflag:s7] =	ssyncset.done $0x0  }
0xa0: {  	[sflag:s7] =	ssyncadd.s32 s5;
	_ =	sdelay $0x1  }
0xa1: {  	s23 =	simm.s32 $0x1B8B  }
0xa2: {  	_ =	swait.ge [sflag:s23], $0x1  }
0xa3: {  	[sflag:s23] =	ssyncset.done $0x0  }
0xa4: {  	[sflag:s23] =	ssyncadd.s32 $0xFFFFFFFF  }
0xa5: {  	s5 =	sld [smem:$0x0]  }
0xa6: {  	s6 =	sand.u32 $0xFFFFFFFE, s1  }
0xa7: {  	p0 =	sne.s32 s1, s6  }
0xa8: {  	s6 =	sshll.u32 @p0 s6, $0xE  }
0xa9: {  	s6 =	sadd.s32 @p0 $0x11B8D, s6;
	s7 =	sshll.u32 @p0 s5, $0x11  }
0xaa: {  	s6 =	sor.u32 @p0 s7, s6  }
0xab: {  	[sflag:s6] =	ssyncadd.remote.s32 @p0 $0x1;
	_ =	sdelay $0x1  }
0xac: {  	s6 =	simm.s32 @p0 $0x1B8D  }
0xad: {  	_ =	swait.eq @p0 [sflag:s6], $0x1  }
0xae: {  	[sflag:s6] =	ssyncadd.s32 @p0 $0xFFFFFFFF  }
0xaf: {  	s7 =	sshll.u32 @!p0 s1, $0xE  }
0xb0: {  	s7 =	sor.u32 @!p0 $0x4000, s7;
	s6 =	simm.s32 @!p0 $0x1B8D  }
0xb1: {  	s5 =	sshll.u32 @!p0 s5, $0x11;
	s7 =	sadd.s32 @!p0 $0x11B8D, s7;
	_ =	swait.eq @!p0 [sflag:s6], $0x1  }
0xb2: {  	s5 =	sor.u32 @!p0 s5, s7;
	[sflag:s6] =	ssyncadd.s32 @!p0 $0xFFFFFFFF  }
0xb3: {  	s25 =	simm.s32 $0x1B8E;
	s24 =	sld [smem:$0x3FFE];
	[sflag:s5] =	ssyncadd.remote.s32 @!p0 $0x1  }
0xb4: {  	s26 =	simm.s32 $execute0_lowered;
	[smem:$0x3FD2] =	sst s25  }
0xb5: {  	s6 =	sshll.u32 s26, $0x1;
	_ =	strace $0x80000049;
	[dreg:$0x1] =	wrdreg $0xFFFFFFFF  }
0xb6: {  	s28 =	simm.s32 $_size_execute0_lowered;
	s4 =	sadd.s32 s4, s6;
	[dreg:$0x0] =	wrdreg $0x0  }
0xb7: {  	s6 =	sshll.u32 s28, $0x1;
	[dreg:$0x2] =	wrdreg s4  }
0xb8: {  	[dreg:$0x3] =	wrdreg s6  }
0xb9: {  	[dreg:$0x4] =	wrdreg $0xC0  }
0xba: {  	_ =	task [dreg:s22], $0x5FFFF  }
0xbb: {  	[dreg:$0x1] =	wrdreg $0xFFFFFFFF  }
0xbc: {  	[dreg:$0x0] =	wrdreg $0x60  }
0xbd: {  	[dreg:$0x2] =	wrdreg s18  }
0xbe: {  	[dreg:$0x3] =	wrdreg s24  }
0xbf: {  	[dreg:$0x4] =	wrdreg $0xA  }
0xc0: {  	_ =	task.clear_ibuf [dreg:s22], $0x5FFFF;
	_ =	strace $0x90000049  }
0xc1: {  	s29 =	simm.s32 $0xA;
	_ =	strace $0x8000004B  }
0xc2: {  	_ =	swait.ge [sflag:s29], $0x1  }
0xc3: {  	[sflag:s29] =	ssyncadd.s32 $0xFFFFFFFF  }
0xc4: {  	_ =	strace $0x9000004B  }
0xc5: {  	_ =	sfence  }
0xc6: {  	s30 =	sld [smem:$0x0];
	_ =	sdelay $0x2  }
0xc7: {  	s31 =	sshll.u32 s1, $0xD;
	s1 =	sshrl.u32 s1, $0x2  }
0xc8: {  	s4 =	sand.u32 $0x4000, s31;
	s1 =	sadd.s32 s1, s30  }
0xc9: {  	s0 =	sor.u32 s4, s0;
	s1 =	sshll.u32 s1, $0x11  }
0xca: {  	s0 =	sor.u32 s1, s0  }
0xcb: {  	s0 =	sadd.s32 $0x8F2B, s0  }
0xcc: {  	[sflag:s0] =	ssyncadd.remote.s32 $0x1  }
0xcd: {  	_ =	sfence.sel $0xFFFF  }
0xce: {  	[dreg:$0x0] =	wrdreg $0xFFFFFFFF;
	(pc) =	sbr.abs _section_cstart, $3  }
0xcf: {  	[dreg:$0x1] =	wrdreg $0xFFFFFFFF  }
0xd0: {  	_ =	task.clear_ibuf [dreg:s22], $0x2FFFF;
	_ =	strace $0x9FFFFFFF  }
0xd1: {  	(tm) =	ssettm $0x7FFFFFFF  }
tec
execute0_lowered:
.L_overlay_start_1:
0x0: {  	(tag) =	ssettag $0x1  }
0x1: {  	s1 =	stileid.u32  }
0x2: {  	p0 =	sgt.u32 s1, $0xC  }
.Ltmp0:
0x3: {  	_ = 	snop;
	(pc) =	sbr.rel @p0 .LBB2_5-.Ltmp0, $4  }
0x4: {  	s3 =	rddreg [dreg:$0x0]  }
0x5: {  	s4 =	rddreg [dreg:$0x1];
	s2 =	simm.s32 $0x0  }
0x6: {  	[smem:$0x7FF] =	sst s2  }
0x7: {  	s0 =	rddreg [dreg:$0x2];
	_ =	strace $0x8000004A  }
0x8: {  	s5 =	srdreg.scid;
	s6 =	sshll.u32 s1, $0x1;
	s7 =	sshll.u32 s1, $0xA  }
0x9: {  	s28 =	sadd.s32 $0x1A1E00, s4;
	s11 =	simm.s32 $0x19C00;
	s5 =	sand.u32 $0x1, s5  }
0xa: {  	s12 =	simm.s32 $0x0;
	s6 =	sor.u32 s5, s6;
	s5 =	ssub.s32 $0x2, s5  }
0xb: {  	s8 =	sshll.u32 s6, $0x4;
	s6 =	smul.u32 $0x186A0, s6;
	s9 =	sshrl.u32 s5, $0x1  }
0xc: {  	s7 =	sor.u32 s7, s8;
	s30 =	ssub.s32 s5, s9;
	s8 =	simm.s32 $0x80  }
0xd: {  	s9 =	simm.s32 $0x400;
	s7 =	sand.u32 $0x3070, s7;
	s10 =	sand.u32 $0x3E0, s6  }
0xe: {  	s6 =	sshrl.u32 s6, $0x3;
	s29 =	sadd.s32 s7, s4;
	s3 =	sadd.s32 s3, s7  }
0xf: {  	s31 =	sand.u32 $0x7FF80, s6;
	s6 =	smax.u32 s30, $0x1;
	s7 =	simm.s32 $0x1  }
0x10: {  	v0 =	vmov s10;
	s10 =	simm.s32 $0x18C00;
	s4 =	sadd.s32 $0x1F1400, s29;
	s5 =	sadd.s32 s28, s31  }
.LBB2_2:
0x11: {  	s13 =	simm.s32 $0x0  }
0x12: {  	[tilespmem:s13], [sflag:$0x1] =	stream.linear.gather [hbm4b:s5+s13], $0x18C00, $0x38;
	[tilespmem:$0x1AC00] =	vst v63  }
0x13: {  	_ =	swait.ge [sflag:s7], $0x18C00  }
0x14: {  	[sflag:s7] =	ssyncset.done $0x0  }
0x15: {  	[sflag:s7] =	ssyncadd.s32 $0xFFFE7400  }
0x16: {  	[tilespmem:s10], [sflag:$0x1] =	stream.strided.gather [hbm4b:s3+s8], $0x1000, s9, s8, $0x38;
	[tilespmem:$0x1AC00] =	vst v63  }
0x17: {  	_ =	swait.ge [sflag:s7], $0x1000  }
0x18: {  	[sflag:s7] =	ssyncset.done $0x0  }
0x19: {  	s14 =	simm.s32 $0x0;
	[sflag:s7] =	ssyncadd.s32 $0xFFFFF000  }
0x1a: {  	v1 =	vld [tilespmem:s14+$0x18C00];
	_ =	sdelay $0x4  }
0x1b: {  	s13 =	simm.s32 $0x10;
	v1 =	vadd.s32 v0, v1  }
0x1c: {  	v3 =	vld [tilespmem:s13+$0x18C00];
	_ =	sdelay $0x3  }
0x1d: {  	v2 =	vld.idx.msk [tilespmem:v1+s2+$0x0], $0xffff  }
0x1e: {  	v1 =	vadd.s32 v0, v3  }
0x1f: {  	s15 =	simm.s32 $0x20;
	s16 =	simm.s32 $0xC0  }
.LBB2_3:
0x20: {  	p0 =	sne.s32 s16, $0x3FC0;
	v3 =	vld [tilespmem:s15+$0x18C00];
	_ =	sdelay $0x1  }
.Ltmp1:
0x21: {  	[tilespmem:s14+$0x19C00] =	vst v2;
	s14 =	smov.u32 s13;
	s13 =	smov.u32 s15;
	(pc) =	sbr.rel @p0 .LBB2_3-.Ltmp1, $3  }
0x22: {  	v2 =	vld.idx.msk [tilespmem:v1+s2+$0x0], $0xffff;
	_ =	sdelay $0x1  }
0x23: {  	v1 =	vadd.s32 v0, v3  }
0x24: {  	s15 =	sshra.s32 s16, $0x2;
	s16 =	sadd.s32 $0x40, s16  }
0x25: {  	v3 =	vld [tilespmem:s15+$0x18C00];
	_ =	sdelay $0x2  }
0x26: {  	[tilespmem:s14+$0x19C00] =	vst v2  }
0x27: {  	v1 =	vld.idx.msk [tilespmem:v1+s2+$0x0], $0xffff  }
0x28: {  	v2 =	vadd.s32 v0, v3;
	_ =	sdelay $0x3  }
0x29: {  	[tilespmem:s13+$0x19C00] =	vst v1  }
0x2a: {  	v1 =	vld.idx.msk [tilespmem:v2+s2+$0x0], $0xffff;
	_ =	sdelay $0x2  }
0x2b: {  	s12 =	sadd.s32 $0x1, s12  }
0x2c: {  	p0 =	sne.s32 s12, s6  }
.Ltmp2:
0x2d: {  	[tilespmem:s15+$0x19C00] =	vst v1;
	(pc) =	sbr.rel @p0 .LBB2_2-.Ltmp2, $4  }
0x2e: {  	[hbm4b:s4+s8] =	stream.strided.scatter [tilespmem:s11], [sflag:$0x1], $0x1000, s9, s8, $0x38;
	[tilespmem:$0x1AC00] =	vst v63  }
0x2f: {  	_ =	swait.ge [sflag:s7], $0x1000  }
0x30: {  	[sflag:s7] =	ssyncset.done $0x0  }
0x31: {  	[sflag:s7] =	ssyncadd.s32 $0xFFFFF000  }
.LBB2_5:
0x32: {  	_ =	sfence.sel $0x180000  }
0x33: {  	[bflag:$0x0] =	sbarrier.arrive $0xFFFF  }
0x34: {  	p0 =	sne.s32 s1, $0x0;
	_ =	strace $0x9000004A  }
0x35: {  	s0 =	sadd.s32 @!p0 $0x100000, s0;
	[bflag:$0x2] =	sbarrier.arrive $0xFFFF  }
0x36: {  	[sflag:s0] =	ssyncadd.tile.s32 @!p0 $0x1;
	_ =	shalt  }
.Lfunc_end2:
_tile_overlayer_lowered:
.L_overlay_start_2:
0x37: {  	(tag) =	ssettag $0x2  }
0x38: {  	s0 =	rddreg [dreg:$0x0];
	s2 =	stileid.u32  }
0x39: {  	s1 =	rddreg [dreg:$0x1];
	p0 =	sne.s32 s2, $0x0  }
0x3a: {  	s3 =	rddreg [dreg:$0x2];
	[bflag:$0x3] =	sbarrier.arrive $0xFFFF;
	s2 =	simm.s32 @!p0 $0x1C01  }
0x3b: {  	[timem:s3], [sflag:s2] =	dma.local @!p0 [hbm:s0], s1  }
0x3c: {  	s0 =	simm.s32 @!p0 $0x1  }
0x3d: {  	_ =	swait.ge @!p0 [sflag:s0], s1  }
0x3e: {  	s1 =	ssub.s32 @!p0 $0x0, s1;
	[sflag:s0] =	ssyncset.done @!p0 $0x0  }
0x3f: {  	[sflag:s0] =	ssyncadd.s32 @!p0 s1  }
0x40: {  	[bflag:$0x3] =	sbarrier.arrive $0xFFFF  }
0x41: {  	_ =	shalt  }

</sc_bundles>
